<compile_context>
chip_gen: v7x
topology: tpu7x:2x2x1
jax: 0.10.2.dev20260603
libtpu: 0.0.44.dev20260713+nightly
codegen_flags: <defaults>
</compile_context>

<pallas_src>
import functools

import jax
import jax.numpy as jnp
from jax import lax
from jax.experimental import pallas as pl
from jax.experimental.pallas import tpu as pltpu
from jax.experimental.pallas import tpu_sc as plsc

_NC = 2
_NS = 16
_NW = _NC * _NS
_LANES = 16
_NSLOT = 4


def _make_sc_kernel(B, S, D):
    rows_per_w = S // _NW
    CH = 16
    n_chunks = rows_per_w // CH
    vregs_per_row = D // _LANES

    mesh = plsc.VectorSubcoreMesh(core_axis_name="c", subcore_axis_name="s")

    @functools.partial(
        pl.kernel,
        out_type=jax.ShapeDtypeStruct((B, S, D), jnp.float32),
        mesh=mesh,
        compiler_params=pltpu.CompilerParams(use_tc_tiling_on_sc=True),
        scratch_types=[
            pltpu.VMEM((_NSLOT, B, CH, D), jnp.float32),
            pltpu.VMEM((_NSLOT, CH, D), jnp.float32),
            pltpu.SemaphoreType.DMA((_NSLOT,)),
            pltpu.SemaphoreType.DMA((_NSLOT,)),
        ],
    )
    def sc_kernel(in_hbm, pos_hbm, out_hbm, io_b, pos_b, sin, sout):
        wid = lax.axis_index("c") * _NS + lax.axis_index("s")
        row_base = wid * rows_per_w

        def in_descs(k, t):
            r0 = row_base + k * CH
            return [
                pltpu.make_async_copy(pos_hbm.at[pl.ds(r0, CH), :], pos_b.at[t], sin.at[t]),
                pltpu.make_async_copy(
                    in_hbm.at[:, pl.ds(r0, CH), :], io_b.at[t], sin.at[t]
                ),
            ]

        def out_descs(k, t):
            r0 = row_base + k * CH
            return [
                pltpu.make_async_copy(
                    io_b.at[t], out_hbm.at[:, pl.ds(r0, CH), :], sout.at[t]
                )
            ]

        def start_in(k, t):
            for d in in_descs(k, t):
                d.start()

        def compute(t):
            @plsc.parallel_loop(0, CH)
            def _(row):
                for c in range(vregs_per_row):
                    cs = pl.ds(c * _LANES, _LANES)
                    po = pos_b[t, row, cs]
                    for b in range(B):
                        plsc.addupdate(io_b.at[t, b, row, cs], po)

        start_in(0, 0)
        start_in(1, 1)

        @pl.loop(0, n_chunks)
        def _(k):
            t = lax.rem(k, _NSLOT)
            for d in in_descs(k, t):
                d.wait()

            @pl.when(k >= 2)
            def _():
                for d in out_descs(k - 2, lax.rem(k - 2, _NSLOT)):
                    d.wait()

            @pl.when(k + 2 < n_chunks)
            def _():
                start_in(k + 2, lax.rem(k + 2, _NSLOT))

            compute(t)
            for d in out_descs(k, t):
                d.start()

        for k in (n_chunks - 2, n_chunks - 1):
            for d in out_descs(k, k % _NSLOT):
                d.wait()

    return sc_kernel


def kernel(input_embeddings, pos_table):
    B, S, D = input_embeddings.shape
    return _make_sc_kernel(B, S, D)(input_embeddings, pos_table[:S])

# --- scband reference (transcript-rebuilt; emitter-appended) ---
"""Pipeline reference for scband-learned-positional-encoding-21174188770047 (READ-ONLY COPY).

The authoritative reference and input builder live on the scoring server;
editing this copy changes nothing except your own understanding.
"""

import jax, jax.numpy as jnp
import numpy as np

MAX_SEQ_LEN = 4096
EMBED_DIM = 384
BATCH = 4
SEQ_LEN = 4096

def setup_inputs(seed: int = 0) -> dict:
    key = jax.random.key(seed)
    k1, k2 = jax.random.split(key)
    input_embeddings = jax.random.normal(k1, (BATCH, SEQ_LEN, EMBED_DIM), dtype=jnp.float32)
    # learned positional embedding table (nn.Embedding weight), N(0,1) init like torch default
    pos_table = jax.random.normal(k2, (MAX_SEQ_LEN, EMBED_DIM), dtype=jnp.float32)
    return {"input_embeddings": input_embeddings, "pos_table": pos_table}

def reference(input_embeddings, pos_table):
    seq_len = input_embeddings.shape[1]
    positions = jnp.arange(seq_len)[None, :]  # [1, S]
    positional_embeddings = jnp.take(pos_table, positions, axis=0)  # [1, S, D] gather
    return input_embeddings + positional_embeddings

if __name__ == "__main__":
    import jax
    _d = setup_inputs()
    print(jax.jit(kernel)(*tuple(_d.values())))

</pallas_src>

<mosaic_0001>
#map = affine_map<(d0, d1) -> (0, 0, 0)>
#map1 = affine_map<(d0, d1) -> (0, 0)>
module attributes {stable_mosaic.version = 14 : i64} {
  func.func @sc_kernel(%arg0: i32, %arg1: i32, %arg2: memref<4x4096x384xf32, #tpu.memory_space<hbm>>, %arg3: memref<4096x384xf32, #tpu.memory_space<hbm>>, %arg4: memref<4x4096x384xf32, #tpu.memory_space<hbm>>, %arg5: memref<4x4x16x384xf32, #tpu.memory_space<vmem>>, %arg6: memref<4x16x384xf32, #tpu.memory_space<vmem>>, %arg7: memref<4x!tpu.dma_semaphore, #tpu.memory_space<semaphore_mem>>, %arg8: memref<4x!tpu.dma_semaphore, #tpu.memory_space<semaphore_mem>>) attributes {dimension_semantics = [#tpu.dimension_semantics<core_parallel>, #tpu.dimension_semantics<subcore_parallel>], iteration_bounds = array<i64: 2, 16>, scalar_prefetch = 0 : i64, scratch_operands = 4 : i64, tpu.core_type = #tpu.core_type<sc_vector_subcore>, window_params = [{transform_indices = #map}, {transform_indices = #map1}, {transform_indices = #map}]} {
    %mul3A = arith.constant 16 : i32
    %mul3A_0 = arith.muli %arg0, %mul3A : i32
    %add3A = arith.addi %mul3A_0, %arg1 : i32
    %mul3A_1 = arith.constant 128 : i32
    %mul3A_2 = arith.muli %add3A, %mul3A_1 : i32
    %add3A_3 = arith.constant 0 : i32
    %add3A_4 = arith.addi %mul3A_2, %add3A_3 : i32
    %dma_start3A = arith.constant 0 : i32
    %dma_start3A_5 = arith.constant 0 : i32
    %dma_start3A_6 = arith.constant 0 : i32
    %dma_start3A_7 = arith.constant 0 : i32
    %dma_start3A_8 = tpu.memref_slice %arg6[%dma_start3A, %dma_start3A_6, %dma_start3A_7] : memref<4x16x384xf32, #tpu.memory_space<vmem>> -> memref<1x16x384xf32, #tpu.memory_space<vmem>>
    %dma_start3A_9 = tpu.memref_squeeze %dma_start3A_8 : memref<1x16x384xf32, #tpu.memory_space<vmem>> -> memref<16x384xf32, #tpu.memory_space<vmem>>
    %dma_start3A_10 = arith.constant 0 : i32
    %dma_start3A_11 = tpu.memref_slice %arg3[%add3A_4, %dma_start3A_10] : memref<4096x384xf32, #tpu.memory_space<hbm>> -> memref<16x384xf32, #tpu.memory_space<hbm>>
    %dma_start3A_12 = tpu.memref_slice %arg7[%dma_start3A_5] : memref<4x!tpu.dma_semaphore, #tpu.memory_space<semaphore_mem>> -> memref<1x!tpu.dma_semaphore, #tpu.memory_space<semaphore_mem>>
    %dma_start3A_13 = tpu.memref_squeeze %dma_start3A_12 : memref<1x!tpu.dma_semaphore, #tpu.memory_space<semaphore_mem>> -> memref<!tpu.dma_semaphore, #tpu.memory_space<semaphore_mem>>
    %dma_start3A_14 = arith.constant 0 : i32
    %dma_start3A_15 = arith.constant 0 : i32
    %dma_start3A_16 = tpu.memref_slice %arg6[%dma_start3A, %dma_start3A_14, %dma_start3A_15] : memref<4x16x384xf32, #tpu.memory_space<vmem>> -> memref<1x16x384xf32, #tpu.memory_space<vmem>>
    %dma_start3A_17 = tpu.memref_squeeze %dma_start3A_16 : memref<1x16x384xf32, #tpu.memory_space<vmem>> -> memref<16x384xf32, #tpu.memory_space<vmem>>
    %dma_start3A_18 = arith.constant 0 : i32
    %dma_start3A_19 = tpu.memref_slice %arg3[%add3A_4, %dma_start3A_18] : memref<4096x384xf32, #tpu.memory_space<hbm>> -> memref<16x384xf32, #tpu.memory_space<hbm>>
    tpu.enqueue_dma source(%dma_start3A_19 : memref<16x384xf32, #tpu.memory_space<hbm>>) target(%dma_start3A_17 : memref<16x384xf32, #tpu.memory_space<vmem>>) target_semaphore(%dma_start3A_13 : memref<!tpu.dma_semaphore, #tpu.memory_space<semaphore_mem>>)
    %dma_start3A_20 = arith.constant 0 : i32
    %dma_start3A_21 = arith.constant 0 : i32
    %dma_start3A_22 = arith.constant 0 : i32
    %dma_start3A_23 = arith.constant 0 : i32
    %dma_start3A_24 = arith.constant 0 : i32
    %dma_start3A_25 = tpu.memref_slice %arg5[%dma_start3A_20, %dma_start3A_22, %dma_start3A_23, %dma_start3A_24] : memref<4x4x16x384xf32, #tpu.memory_space<vmem>> -> memref<1x4x16x384xf32, #tpu.memory_space<vmem>>
    %dma_start3A_26 = tpu.memref_squeeze %dma_start3A_25 : memref<1x4x16x384xf32, #tpu.memory_space<vmem>> -> memref<4x16x384xf32, #tpu.memory_space<vmem>>
    %dma_start3A_27 = arith.constant 0 : i32
    %dma_start3A_28 = arith.constant 0 : i32
    %dma_start3A_29 = tpu.memref_slice %arg2[%dma_start3A_27, %add3A_4, %dma_start3A_28] : memref<4x4096x384xf32, #tpu.memory_space<hbm>> -> memref<4x16x384xf32, #tpu.memory_space<hbm>>
    %dma_start3A_30 = tpu.memref_slice %arg7[%dma_start3A_21] : memref<4x!tpu.dma_semaphore, #tpu.memory_space<semaphore_mem>> -> memref<1x!tpu.dma_semaphore, #tpu.memory_space<semaphore_mem>>
    %dma_start3A_31 = tpu.memref_squeeze %dma_start3A_30 : memref<1x!tpu.dma_semaphore, #tpu.memory_space<semaphore_mem>> -> memref<!tpu.dma_semaphore, #tpu.memory_space<semaphore_mem>>
    %dma_start3A_32 = arith.constant 0 : i32
    %dma_start3A_33 = arith.constant 0 : i32
    %dma_start3A_34 = arith.constant 0 : i32
    %dma_start3A_35 = tpu.memref_slice %arg5[%dma_start3A_20, %dma_start3A_32, %dma_start3A_33, %dma_start3A_34] : memref<4x4x16x384xf32, #tpu.memory_space<vmem>> -> memref<1x4x16x384xf32, #tpu.memory_space<vmem>>
    %dma_start3A_36 = tpu.memref_squeeze %dma_start3A_35 : memref<1x4x16x384xf32, #tpu.memory_space<vmem>> -> memref<4x16x384xf32, #tpu.memory_space<vmem>>
    %dma_start3A_37 = arith.constant 0 : i32
    %dma_start3A_38 = arith.constant 0 : i32
    %dma_start3A_39 = tpu.memref_slice %arg2[%dma_start3A_37, %add3A_4, %dma_start3A_38] : memref<4x4096x384xf32, #tpu.memory_space<hbm>> -> memref<4x16x384xf32, #tpu.memory_space<hbm>>
    tpu.enqueue_dma source(%dma_start3A_39 : memref<4x16x384xf32, #tpu.memory_space<hbm>>) target(%dma_start3A_36 : memref<4x16x384xf32, #tpu.memory_space<vmem>>) target_semaphore(%dma_start3A_31 : memref<!tpu.dma_semaphore, #tpu.memory_space<semaphore_mem>>)
    %add3A_40 = arith.constant 16 : i32
    %add3A_41 = arith.addi %mul3A_2, %add3A_40 : i32
    %dma_start3A_42 = arith.constant 1 : i32
    %dma_start3A_43 = arith.constant 1 : i32
    %dma_start3A_44 = arith.constant 0 : i32
    %dma_start3A_45 = arith.constant 0 : i32
    %dma_start3A_46 = tpu.memref_slice %arg6[%dma_start3A_42, %dma_start3A_44, %dma_start3A_45] : memref<4x16x384xf32, #tpu.memory_space<vmem>> -> memref<1x16x384xf32, #tpu.memory_space<vmem>>
    %dma_start3A_47 = tpu.memref_squeeze %dma_start3A_46 : memref<1x16x384xf32, #tpu.memory_space<vmem>> -> memref<16x384xf32, #tpu.memory_space<vmem>>
    %dma_start3A_48 = arith.constant 0 : i32
    %dma_start3A_49 = tpu.memref_slice %arg3[%add3A_41, %dma_start3A_48] : memref<4096x384xf32, #tpu.memory_space<hbm>> -> memref<16x384xf32, #tpu.memory_space<hbm>>
    %dma_start3A_50 = tpu.memref_slice %arg7[%dma_start3A_43] : memref<4x!tpu.dma_semaphore, #tpu.memory_space<semaphore_mem>> -> memref<1x!tpu.dma_semaphore, #tpu.memory_space<semaphore_mem>>
    %dma_start3A_51 = tpu.memref_squeeze %dma_start3A_50 : memref<1x!tpu.dma_semaphore, #tpu.memory_space<semaphore_mem>> -> memref<!tpu.dma_semaphore, #tpu.memory_space<semaphore_mem>>
    %dma_start3A_52 = arith.constant 0 : i32
    %dma_start3A_53 = arith.constant 0 : i32
    %dma_start3A_54 = tpu.memref_slice %arg6[%dma_start3A_42, %dma_start3A_52, %dma_start3A_53] : memref<4x16x384xf32, #tpu.memory_space<vmem>> -> memref<1x16x384xf32, #tpu.memory_space<vmem>>
    %dma_start3A_55 = tpu.memref_squeeze %dma_start3A_54 : memref<1x16x384xf32, #tpu.memory_space<vmem>> -> memref<16x384xf32, #tpu.memory_space<vmem>>
    %dma_start3A_56 = arith.constant 0 : i32
    %dma_start3A_57 = tpu.memref_slice %arg3[%add3A_41, %dma_start3A_56] : memref<4096x384xf32, #tpu.memory_space<hbm>> -> memref<16x384xf32, #tpu.memory_space<hbm>>
    tpu.enqueue_dma source(%dma_start3A_57 : memref<16x384xf32, #tpu.memory_space<hbm>>) target(%dma_start3A_55 : memref<16x384xf32, #tpu.memory_space<vmem>>) target_semaphore(%dma_start3A_51 : memref<!tpu.dma_semaphore, #tpu.memory_space<semaphore_mem>>)
    %dma_start3A_58 = arith.constant 1 : i32
    %dma_start3A_59 = arith.constant 1 : i32
    %dma_start3A_60 = arith.constant 0 : i32
    %dma_start3A_61 = arith.constant 0 : i32
    %dma_start3A_62 = arith.constant 0 : i32
    %dma_start3A_63 = tpu.memref_slice %arg5[%dma_start3A_58, %dma_start3A_60, %dma_start3A_61, %dma_start3A_62] : memref<4x4x16x384xf32, #tpu.memory_space<vmem>> -> memref<1x4x16x384xf32, #tpu.memory_space<vmem>>
    %dma_start3A_64 = tpu.memref_squeeze %dma_start3A_63 : memref<1x4x16x384xf32, #tpu.memory_space<vmem>> -> memref<4x16x384xf32, #tpu.memory_space<vmem>>
    %dma_start3A_65 = arith.constant 0 : i32
    %dma_start3A_66 = arith.constant 0 : i32
    %dma_start3A_67 = tpu.memref_slice %arg2[%dma_start3A_65, %add3A_41, %dma_start3A_66] : memref<4x4096x384xf32, #tpu.memory_space<hbm>> -> memref<4x16x384xf32, #tpu.memory_space<hbm>>
    %dma_start3A_68 = tpu.memref_slice %arg7[%dma_start3A_59] : memref<4x!tpu.dma_semaphore, #tpu.memory_space<semaphore_mem>> -> memref<1x!tpu.dma_semaphore, #tpu.memory_space<semaphore_mem>>
    %dma_start3A_69 = tpu.memref_squeeze %dma_start3A_68 : memref<1x!tpu.dma_semaphore, #tpu.memory_space<semaphore_mem>> -> memref<!tpu.dma_semaphore, #tpu.memory_space<semaphore_mem>>
    %dma_start3A_70 = arith.constant 0 : i32
    %dma_start3A_71 = arith.constant 0 : i32
    %dma_start3A_72 = arith.constant 0 : i32
    %dma_start3A_73 = tpu.memref_slice %arg5[%dma_start3A_58, %dma_start3A_70, %dma_start3A_71, %dma_start3A_72] : memref<4x4x16x384xf32, #tpu.memory_space<vmem>> -> memref<1x4x16x384xf32, #tpu.memory_space<vmem>>
    %dma_start3A_74 = tpu.memref_squeeze %dma_start3A_73 : memref<1x4x16x384xf32, #tpu.memory_space<vmem>> -> memref<4x16x384xf32, #tpu.memory_space<vmem>>
    %dma_start3A_75 = arith.constant 0 : i32
    %dma_start3A_76 = arith.constant 0 : i32
    %dma_start3A_77 = tpu.memref_slice %arg2[%dma_start3A_75, %add3A_41, %dma_start3A_76] : memref<4x4096x384xf32, #tpu.memory_space<hbm>> -> memref<4x16x384xf32, #tpu.memory_space<hbm>>
    tpu.enqueue_dma source(%dma_start3A_77 : memref<4x16x384xf32, #tpu.memory_space<hbm>>) target(%dma_start3A_74 : memref<4x16x384xf32, #tpu.memory_space<vmem>>) target_semaphore(%dma_start3A_69 : memref<!tpu.dma_semaphore, #tpu.memory_space<semaphore_mem>>)
    %scan3A = arith.constant 0 : i32
    %scan3A_78 = arith.constant 8 : i32
    %scan3A_79 = arith.addi %scan3A, %scan3A_78 : i32
    %scan3A_80 = arith.constant 1 : i32
    scf.for %scan3A_125 = %scan3A to %scan3A_79 step %scan3A_80  : i32 {
      %mul3A_126 = arith.constant 1 : i32
      %mul3A_127 = arith.muli %scan3A_125, %mul3A_126 : i32
      %add3A_128 = arith.constant 0 : i32
      %add3A_129 = arith.addi %add3A_128, %mul3A_127 : i32
      %rem3A = arith.constant 4 : i32
      %rem3A_130 = arith.remsi %add3A_129, %rem3A : i32
      %mul3A_131 = arith.constant 16 : i32
      %mul3A_132 = arith.muli %add3A_129, %mul3A_131 : i32
      %add3A_133 = arith.addi %mul3A_2, %mul3A_132 : i32
      %dma_wait3A_134 = arith.constant 0 : i32
      %dma_wait3A_135 = arith.constant 0 : i32
      %dma_wait3A_136 = tpu.memref_slice %arg6[%rem3A_130, %dma_wait3A_134, %dma_wait3A_135] : memref<4x16x384xf32, #tpu.memory_space<vmem>> -> memref<1x16x384xf32, #tpu.memory_space<vmem>>
      %dma_wait3A_137 = tpu.memref_squeeze %dma_wait3A_136 : memref<1x16x384xf32, #tpu.memory_space<vmem>> -> memref<16x384xf32, #tpu.memory_space<vmem>>
      %dma_wait3A_138 = arith.constant 0 : i32
      %dma_wait3A_139 = tpu.memref_slice %arg3[%add3A_133, %dma_wait3A_138] : memref<4096x384xf32, #tpu.memory_space<hbm>> -> memref<16x384xf32, #tpu.memory_space<hbm>>
      %dma_wait3A_140 = tpu.memref_slice %arg7[%rem3A_130] : memref<4x!tpu.dma_semaphore, #tpu.memory_space<semaphore_mem>> -> memref<1x!tpu.dma_semaphore, #tpu.memory_space<semaphore_mem>>
      %dma_wait3A_141 = tpu.memref_squeeze %dma_wait3A_140 : memref<1x!tpu.dma_semaphore, #tpu.memory_space<semaphore_mem>> -> memref<!tpu.dma_semaphore, #tpu.memory_space<semaphore_mem>>
      %dma_wait3A_142 = arith.constant 0 : i32
      %dma_wait3A_143 = arith.constant 0 : i32
      %dma_wait3A_144 = tpu.memref_slice %arg6[%rem3A_130, %dma_wait3A_142, %dma_wait3A_143] : memref<4x16x384xf32, #tpu.memory_space<vmem>> -> memref<1x16x384xf32, #tpu.memory_space<vmem>>
      %dma_wait3A_145 = tpu.memref_squeeze %dma_wait3A_144 : memref<1x16x384xf32, #tpu.memory_space<vmem>> -> memref<16x384xf32, #tpu.memory_space<vmem>>
      %dma_wait3A_146 = arith.constant 0 : i32
      %dma_wait3A_147 = tpu.memref_slice %arg3[%add3A_133, %dma_wait3A_146] : memref<4096x384xf32, #tpu.memory_space<hbm>> -> memref<16x384xf32, #tpu.memory_space<hbm>>
      tpu.wait_dma2 semaphore(%dma_wait3A_141 : memref<!tpu.dma_semaphore, #tpu.memory_space<semaphore_mem>>) src(%dma_wait3A_147 : memref<16x384xf32, #tpu.memory_space<hbm>>) dst(%dma_wait3A_145 : memref<16x384xf32, #tpu.memory_space<vmem>>)
      %dma_wait3A_148 = arith.constant 0 : i32
      %dma_wait3A_149 = arith.constant 0 : i32
      %dma_wait3A_150 = arith.constant 0 : i32
      %dma_wait3A_151 = tpu.memref_slice %arg5[%rem3A_130, %dma_wait3A_148, %dma_wait3A_149, %dma_wait3A_150] : memref<4x4x16x384xf32, #tpu.memory_space<vmem>> -> memref<1x4x16x384xf32, #tpu.memory_space<vmem>>
      %dma_wait3A_152 = tpu.memref_squeeze %dma_wait3A_151 : memref<1x4x16x384xf32, #tpu.memory_space<vmem>> -> memref<4x16x384xf32, #tpu.memory_space<vmem>>
      %dma_wait3A_153 = arith.constant 0 : i32
      %dma_wait3A_154 = arith.constant 0 : i32
      %dma_wait3A_155 = tpu.memref_slice %arg2[%dma_wait3A_153, %add3A_133, %dma_wait3A_154] : memref<4x4096x384xf32, #tpu.memory_space<hbm>> -> memref<4x16x384xf32, #tpu.memory_space<hbm>>
      %dma_wait3A_156 = tpu.memref_slice %arg7[%rem3A_130] : memref<4x!tpu.dma_semaphore, #tpu.memory_space<semaphore_mem>> -> memref<1x!tpu.dma_semaphore, #tpu.memory_space<semaphore_mem>>
      %dma_wait3A_157 = tpu.memref_squeeze %dma_wait3A_156 : memref<1x!tpu.dma_semaphore, #tpu.memory_space<semaphore_mem>> -> memref<!tpu.dma_semaphore, #tpu.memory_space<semaphore_mem>>
      %dma_wait3A_158 = arith.constant 0 : i32
      %dma_wait3A_159 = arith.constant 0 : i32
      %dma_wait3A_160 = arith.constant 0 : i32
      %dma_wait3A_161 = tpu.memref_slice %arg5[%rem3A_130, %dma_wait3A_158, %dma_wait3A_159, %dma_wait3A_160] : memref<4x4x16x384xf32, #tpu.memory_space<vmem>> -> memref<1x4x16x384xf32, #tpu.memory_space<vmem>>
      %dma_wait3A_162 = tpu.memref_squeeze %dma_wait3A_161 : memref<1x4x16x384xf32, #tpu.memory_space<vmem>> -> memref<4x16x384xf32, #tpu.memory_space<vmem>>
      %dma_wait3A_163 = arith.constant 0 : i32
      %dma_wait3A_164 = arith.constant 0 : i32
      %dma_wait3A_165 = tpu.memref_slice %arg2[%dma_wait3A_163, %add3A_133, %dma_wait3A_164] : memref<4x4096x384xf32, #tpu.memory_space<hbm>> -> memref<4x16x384xf32, #tpu.memory_space<hbm>>
      tpu.wait_dma2 semaphore(%dma_wait3A_157 : memref<!tpu.dma_semaphore, #tpu.memory_space<semaphore_mem>>) src(%dma_wait3A_165 : memref<4x16x384xf32, #tpu.memory_space<hbm>>) dst(%dma_wait3A_162 : memref<4x16x384xf32, #tpu.memory_space<vmem>>)
      %ge3A = arith.constant 2 : i32
      %ge3A_166 = arith.cmpi sge, %add3A_129, %ge3A : i32
      %convert_element_type3A = arith.extui %ge3A_166 : i1 to i32
      %cond3A = arith.constant 0 : i32
      %cond3A_167 = arith.cmpi ne, %convert_element_type3A, %cond3A : i32
      scf.if %cond3A_167 {
        %sub3A = arith.constant 2 : i32
        %sub3A_197 = arith.subi %add3A_129, %sub3A : i32
        %sub3A_198 = arith.constant 2 : i32
        %sub3A_199 = arith.subi %add3A_129, %sub3A_198 : i32
        %rem3A_200 = arith.constant 4 : i32
        %rem3A_201 = arith.remsi %sub3A_199, %rem3A_200 : i32
        %mul3A_202 = arith.constant 16 : i32
        %mul3A_203 = arith.muli %sub3A_197, %mul3A_202 : i32
        %add3A_204 = arith.addi %mul3A_2, %mul3A_203 : i32
        %dma_wait3A_205 = arith.constant 0 : i32
        %dma_wait3A_206 = arith.constant 0 : i32
        %dma_wait3A_207 = arith.constant 0 : i32
        %dma_wait3A_208 = tpu.memref_slice %arg5[%rem3A_201, %dma_wait3A_205, %dma_wait3A_206, %dma_wait3A_207] : memref<4x4x16x384xf32, #tpu.memory_space<vmem>> -> memref<1x4x16x384xf32, #tpu.memory_space<vmem>>
        %dma_wait3A_209 = tpu.memref_squeeze %dma_wait3A_208 : memref<1x4x16x384xf32, #tpu.memory_space<vmem>> -> memref<4x16x384xf32, #tpu.memory_space<vmem>>
        %dma_wait3A_210 = arith.constant 0 : i32
        %dma_wait3A_211 = arith.constant 0 : i32
        %dma_wait3A_212 = tpu.memref_slice %arg4[%dma_wait3A_210, %add3A_204, %dma_wait3A_211] : memref<4x4096x384xf32, #tpu.memory_space<hbm>> -> memref<4x16x384xf32, #tpu.memory_space<hbm>>
        %dma_wait3A_213 = tpu.memref_slice %arg8[%rem3A_201] : memref<4x!tpu.dma_semaphore, #tpu.memory_space<semaphore_mem>> -> memref<1x!tpu.dma_semaphore, #tpu.memory_space<semaphore_mem>>
        %dma_wait3A_214 = tpu.memref_squeeze %dma_wait3A_213 : memref<1x!tpu.dma_semaphore, #tpu.memory_space<semaphore_mem>> -> memref<!tpu.dma_semaphore, #tpu.memory_space<semaphore_mem>>
        %dma_wait3A_215 = arith.constant 0 : i32
        %dma_wait3A_216 = arith.constant 0 : i32
        %dma_wait3A_217 = tpu.memref_slice %arg4[%dma_wait3A_215, %add3A_204, %dma_wait3A_216] : memref<4x4096x384xf32, #tpu.memory_space<hbm>> -> memref<4x16x384xf32, #tpu.memory_space<hbm>>
        %dma_wait3A_218 = arith.constant 0 : i32
        %dma_wait3A_219 = arith.constant 0 : i32
        %dma_wait3A_220 = arith.constant 0 : i32
        %dma_wait3A_221 = tpu.memref_slice %arg5[%rem3A_201, %dma_wait3A_218, %dma_wait3A_219, %dma_wait3A_220] : memref<4x4x16x384xf32, #tpu.memory_space<vmem>> -> memref<1x4x16x384xf32, #tpu.memory_space<vmem>>
        %dma_wait3A_222 = tpu.memref_squeeze %dma_wait3A_221 : memref<1x4x16x384xf32, #tpu.memory_space<vmem>> -> memref<4x16x384xf32, #tpu.memory_space<vmem>>
        tpu.wait_dma2 semaphore(%dma_wait3A_214 : memref<!tpu.dma_semaphore, #tpu.memory_space<semaphore_mem>>) src(%dma_wait3A_222 : memref<4x16x384xf32, #tpu.memory_space<vmem>>) dst(%dma_wait3A_217 : memref<4x16x384xf32, #tpu.memory_space<hbm>>)
      } else {
      }
      %add3A_168 = arith.constant 2 : i32
      %add3A_169 = arith.addi %add3A_129, %add3A_168 : i32
      %lt3A = arith.constant 8 : i32
      %lt3A_170 = arith.cmpi slt, %add3A_169, %lt3A : i32
      %convert_element_type3A_171 = arith.extui %lt3A_170 : i1 to i32
      %cond3A_172 = arith.constant 0 : i32
      %cond3A_173 = arith.cmpi ne, %convert_element_type3A_171, %cond3A_172 : i32
      scf.if %cond3A_173 {
        %add3A_197 = arith.constant 2 : i32
        %add3A_198 = arith.addi %add3A_129, %add3A_197 : i32
        %add3A_199 = arith.constant 2 : i32
        %add3A_200 = arith.addi %add3A_129, %add3A_199 : i32
        %rem3A_201 = arith.constant 4 : i32
        %rem3A_202 = arith.remsi %add3A_200, %rem3A_201 : i32
        %mul3A_203 = arith.constant 16 : i32
        %mul3A_204 = arith.muli %add3A_198, %mul3A_203 : i32
        %add3A_205 = arith.addi %mul3A_2, %mul3A_204 : i32
        %dma_start3A_206 = arith.constant 0 : i32
        %dma_start3A_207 = arith.constant 0 : i32
        %dma_start3A_208 = tpu.memref_slice %arg6[%rem3A_202, %dma_start3A_206, %dma_start3A_207] : memref<4x16x384xf32, #tpu.memory_space<vmem>> -> memref<1x16x384xf32, #tpu.memory_space<vmem>>
        %dma_start3A_209 = tpu.memref_squeeze %dma_start3A_208 : memref<1x16x384xf32, #tpu.memory_space<vmem>> -> memref<16x384xf32, #tpu.memory_space<vmem>>
        %dma_start3A_210 = arith.constant 0 : i32
        %dma_start3A_211 = tpu.memref_slice %arg3[%add3A_205, %dma_start3A_210] : memref<4096x384xf32, #tpu.memory_space<hbm>> -> memref<16x384xf32, #tpu.memory_space<hbm>>
        %dma_start3A_212 = tpu.memref_slice %arg7[%rem3A_202] : memref<4x!tpu.dma_semaphore, #tpu.memory_space<semaphore_mem>> -> memref<1x!tpu.dma_semaphore, #tpu.memory_space<semaphore_mem>>
        %dma_start3A_213 = tpu.memref_squeeze %dma_start3A_212 : memref<1x!tpu.dma_semaphore, #tpu.memory_space<semaphore_mem>> -> memref<!tpu.dma_semaphore, #tpu.memory_space<semaphore_mem>>
        %dma_start3A_214 = arith.constant 0 : i32
        %dma_start3A_215 = arith.constant 0 : i32
        %dma_start3A_216 = tpu.memref_slice %arg6[%rem3A_202, %dma_start3A_214, %dma_start3A_215] : memref<4x16x384xf32, #tpu.memory_space<vmem>> -> memref<1x16x384xf32, #tpu.memory_space<vmem>>
        %dma_start3A_217 = tpu.memref_squeeze %dma_start3A_216 : memref<1x16x384xf32, #tpu.memory_space<vmem>> -> memref<16x384xf32, #tpu.memory_space<vmem>>
        %dma_start3A_218 = arith.constant 0 : i32
        %dma_start3A_219 = tpu.memref_slice %arg3[%add3A_205, %dma_start3A_218] : memref<4096x384xf32, #tpu.memory_space<hbm>> -> memref<16x384xf32, #tpu.memory_space<hbm>>
        tpu.enqueue_dma source(%dma_start3A_219 : memref<16x384xf32, #tpu.memory_space<hbm>>) target(%dma_start3A_217 : memref<16x384xf32, #tpu.memory_space<vmem>>) target_semaphore(%dma_start3A_213 : memref<!tpu.dma_semaphore, #tpu.memory_space<semaphore_mem>>)
        %dma_start3A_220 = arith.constant 0 : i32
        %dma_start3A_221 = arith.constant 0 : i32
        %dma_start3A_222 = arith.constant 0 : i32
        %dma_start3A_223 = tpu.memref_slice %arg5[%rem3A_202, %dma_start3A_220, %dma_start3A_221, %dma_start3A_222] : memref<4x4x16x384xf32, #tpu.memory_space<vmem>> -> memref<1x4x16x384xf32, #tpu.memory_space<vmem>>
        %dma_start3A_224 = tpu.memref_squeeze %dma_start3A_223 : memref<1x4x16x384xf32, #tpu.memory_space<vmem>> -> memref<4x16x384xf32, #tpu.memory_space<vmem>>
        %dma_start3A_225 = arith.constant 0 : i32
        %dma_start3A_226 = arith.constant 0 : i32
        %dma_start3A_227 = tpu.memref_slice %arg2[%dma_start3A_225, %add3A_205, %dma_start3A_226] : memref<4x4096x384xf32, #tpu.memory_space<hbm>> -> memref<4x16x384xf32, #tpu.memory_space<hbm>>
        %dma_start3A_228 = tpu.memref_slice %arg7[%rem3A_202] : memref<4x!tpu.dma_semaphore, #tpu.memory_space<semaphore_mem>> -> memref<1x!tpu.dma_semaphore, #tpu.memory_space<semaphore_mem>>
        %dma_start3A_229 = tpu.memref_squeeze %dma_start3A_228 : memref<1x!tpu.dma_semaphore, #tpu.memory_space<semaphore_mem>> -> memref<!tpu.dma_semaphore, #tpu.memory_space<semaphore_mem>>
        %dma_start3A_230 = arith.constant 0 : i32
        %dma_start3A_231 = arith.constant 0 : i32
        %dma_start3A_232 = arith.constant 0 : i32
        %dma_start3A_233 = tpu.memref_slice %arg5[%rem3A_202, %dma_start3A_230, %dma_start3A_231, %dma_start3A_232] : memref<4x4x16x384xf32, #tpu.memory_space<vmem>> -> memref<1x4x16x384xf32, #tpu.memory_space<vmem>>
        %dma_start3A_234 = tpu.memref_squeeze %dma_start3A_233 : memref<1x4x16x384xf32, #tpu.memory_space<vmem>> -> memref<4x16x384xf32, #tpu.memory_space<vmem>>
        %dma_start3A_235 = arith.constant 0 : i32
        %dma_start3A_236 = arith.constant 0 : i32
        %dma_start3A_237 = tpu.memref_slice %arg2[%dma_start3A_235, %add3A_205, %dma_start3A_236] : memref<4x4096x384xf32, #tpu.memory_space<hbm>> -> memref<4x16x384xf32, #tpu.memory_space<hbm>>
        tpu.enqueue_dma source(%dma_start3A_237 : memref<4x16x384xf32, #tpu.memory_space<hbm>>) target(%dma_start3A_234 : memref<4x16x384xf32, #tpu.memory_space<vmem>>) target_semaphore(%dma_start3A_229 : memref<!tpu.dma_semaphore, #tpu.memory_space<semaphore_mem>>)
      } else {
      }
      %parallel_loop3A = arith.constant 0 : i32
      %parallel_loop3A_174 = arith.constant 16 : i32
      %parallel_loop3A_175 = arith.constant 1 : i32
      scf.for %parallel_loop3A_197 = %parallel_loop3A to %parallel_loop3A_174 step %parallel_loop3A_175  : i32 {
        %parallel_loop3A_198 = arith.index_cast %rem3A_130 : i32 to index
        %parallel_loop3A_199 = arith.index_cast %parallel_loop3A_197 : i32 to index
        %parallel_loop3A_200 = arith.constant 0 : index
        %parallel_loop3A_201 = tpu.vector_load %arg6[%parallel_loop3A_198, %parallel_loop3A_199, %parallel_loop3A_200] {strides = array<i32>} : memref<4x16x384xf32, #tpu.memory_space<vmem>>, vector<1x1x16xf32>,
        %parallel_loop3A_202 = vector.shape_cast %parallel_loop3A_201 : vector<1x1x16xf32> to vector<16xf32>
        %parallel_loop3A_203 = arith.constant 0 : i32
        %parallel_loop3A_204 = arith.index_cast %rem3A_130 : i32 to index
        %parallel_loop3A_205 = arith.index_cast %parallel_loop3A_203 : i32 to index
        %parallel_loop3A_206 = arith.index_cast %parallel_loop3A_197 : i32 to index
        %parallel_loop3A_207 = arith.constant 0 : index
        %parallel_loop3A_208 = tpu.vector_load %arg5[%parallel_loop3A_204, %parallel_loop3A_205, %parallel_loop3A_206, %parallel_loop3A_207] {strides = array<i32>} : memref<4x4x16x384xf32, #tpu.memory_space<vmem>>, vector<1x1x1x16xf32>,
        %parallel_loop3A_209 = vector.shape_cast %parallel_loop3A_208 : vector<1x1x1x16xf32> to vector<16xf32>
        %parallel_loop3A_210 = vector.shape_cast %parallel_loop3A_202 : vector<16xf32> to vector<1x1x1x16xf32>
        tpu.vector_store %arg5[%parallel_loop3A_204, %parallel_loop3A_205, %parallel_loop3A_206, %parallel_loop3A_207], %parallel_loop3A_210 {add = true, strides = array<i32>} : memref<4x4x16x384xf32, #tpu.memory_space<vmem>>, vector<1x1x1x16xf32>,
        %parallel_loop3A_211 = arith.constant 1 : i32
        %parallel_loop3A_212 = arith.index_cast %rem3A_130 : i32 to index
        %parallel_loop3A_213 = arith.index_cast %parallel_loop3A_211 : i32 to index
        %parallel_loop3A_214 = arith.index_cast %parallel_loop3A_197 : i32 to index
        %parallel_loop3A_215 = arith.constant 0 : index
        %parallel_loop3A_216 = tpu.vector_load %arg5[%parallel_loop3A_212, %parallel_loop3A_213, %parallel_loop3A_214, %parallel_loop3A_215] {strides = array<i32>} : memref<4x4x16x384xf32, #tpu.memory_space<vmem>>, vector<1x1x1x16xf32>,
        %parallel_loop3A_217 = vector.shape_cast %parallel_loop3A_216 : vector<1x1x1x16xf32> to vector<16xf32>
        %parallel_loop3A_218 = vector.shape_cast %parallel_loop3A_202 : vector<16xf32> to vector<1x1x1x16xf32>
        tpu.vector_store %arg5[%parallel_loop3A_212, %parallel_loop3A_213, %parallel_loop3A_214, %parallel_loop3A_215], %parallel_loop3A_218 {add = true, strides = array<i32>} : memref<4x4x16x384xf32, #tpu.memory_space<vmem>>, vector<1x1x1x16xf32>,
        %parallel_loop3A_219 = arith.constant 2 : i32
        %parallel_loop3A_220 = arith.index_cast %rem3A_130 : i32 to index
        %parallel_loop3A_221 = arith.index_cast %parallel_loop3A_219 : i32 to index
        %parallel_loop3A_222 = arith.index_cast %parallel_loop3A_197 : i32 to index
        %parallel_loop3A_223 = arith.constant 0 : index
        %parallel_loop3A_224 = tpu.vector_load %arg5[%parallel_loop3A_220, %parallel_loop3A_221, %parallel_loop3A_222, %parallel_loop3A_223] {strides = array<i32>} : memref<4x4x16x384xf32, #tpu.memory_space<vmem>>, vector<1x1x1x16xf32>,
        %parallel_loop3A_225 = vector.shape_cast %parallel_loop3A_224 : vector<1x1x1x16xf32> to vector<16xf32>
        %parallel_loop3A_226 = vector.shape_cast %parallel_loop3A_202 : vector<16xf32> to vector<1x1x1x16xf32>
        tpu.vector_store %arg5[%parallel_loop3A_220, %parallel_loop3A_221, %parallel_loop3A_222, %parallel_loop3A_223], %parallel_loop3A_226 {add = true, strides = array<i32>} : memref<4x4x16x384xf32, #tpu.memory_space<vmem>>, vector<1x1x1x16xf32>,
        %parallel_loop3A_227 = arith.constant 3 : i32
        %parallel_loop3A_228 = arith.index_cast %rem3A_130 : i32 to index
        %parallel_loop3A_229 = arith.index_cast %parallel_loop3A_227 : i32 to index
        %parallel_loop3A_230 = arith.index_cast %parallel_loop3A_197 : i32 to index
        %parallel_loop3A_231 = arith.constant 0 : index
        %parallel_loop3A_232 = tpu.vector_load %arg5[%parallel_loop3A_228, %parallel_loop3A_229, %parallel_loop3A_230, %parallel_loop3A_231] {strides = array<i32>} : memref<4x4x16x384xf32, #tpu.memory_space<vmem>>, vector<1x1x1x16xf32>,
        %parallel_loop3A_233 = vector.shape_cast %parallel_loop3A_232 : vector<1x1x1x16xf32> to vector<16xf32>
        %parallel_loop3A_234 = vector.shape_cast %parallel_loop3A_202 : vector<16xf32> to vector<1x1x1x16xf32>
        tpu.vector_store %arg5[%parallel_loop3A_228, %parallel_loop3A_229, %parallel_loop3A_230, %parallel_loop3A_231], %parallel_loop3A_234 {add = true, strides = array<i32>} : memref<4x4x16x384xf32, #tpu.memory_space<vmem>>, vector<1x1x1x16xf32>,
        %parallel_loop3A_235 = arith.index_cast %rem3A_130 : i32 to index
        %parallel_loop3A_236 = arith.index_cast %parallel_loop3A_197 : i32 to index
        %parallel_loop3A_237 = arith.constant 16 : index
        %parallel_loop3A_238 = tpu.vector_load %arg6[%parallel_loop3A_235, %parallel_loop3A_236, %parallel_loop3A_237] {strides = array<i32>} : memref<4x16x384xf32, #tpu.memory_space<vmem>>, vector<1x1x16xf32>,
        %parallel_loop3A_239 = vector.shape_cast %parallel_loop3A_238 : vector<1x1x16xf32> to vector<16xf32>
        %parallel_loop3A_240 = arith.constant 0 : i32
        %parallel_loop3A_241 = arith.index_cast %rem3A_130 : i32 to index
        %parallel_loop3A_242 = arith.index_cast %parallel_loop3A_240 : i32 to index
        %parallel_loop3A_243 = arith.index_cast %parallel_loop3A_197 : i32 to index
        %parallel_loop3A_244 = arith.constant 16 : index
        %parallel_loop3A_245 = tpu.vector_load %arg5[%parallel_loop3A_241, %parallel_loop3A_242, %parallel_loop3A_243, %parallel_loop3A_244] {strides = array<i32>} : memref<4x4x16x384xf32, #tpu.memory_space<vmem>>, vector<1x1x1x16xf32>,
        %parallel_loop3A_246 = vector.shape_cast %parallel_loop3A_245 : vector<1x1x1x16xf32> to vector<16xf32>
        %parallel_loop3A_247 = vector.shape_cast %parallel_loop3A_239 : vector<16xf32> to vector<1x1x1x16xf32>
        tpu.vector_store %arg5[%parallel_loop3A_241, %parallel_loop3A_242, %parallel_loop3A_243, %parallel_loop3A_244], %parallel_loop3A_247 {add = true, strides = array<i32>} : memref<4x4x16x384xf32, #tpu.memory_space<vmem>>, vector<1x1x1x16xf32>,
        %parallel_loop3A_248 = arith.constant 1 : i32
        %parallel_loop3A_249 = arith.index_cast %rem3A_130 : i32 to index
        %parallel_loop3A_250 = arith.index_cast %parallel_loop3A_248 : i32 to index
        %parallel_loop3A_251 = arith.index_cast %parallel_loop3A_197 : i32 to index
        %parallel_loop3A_252 = arith.constant 16 : index
        %parallel_loop3A_253 = tpu.vector_load %arg5[%parallel_loop3A_249, %parallel_loop3A_250, %parallel_loop3A_251, %parallel_loop3A_252] {strides = array<i32>} : memref<4x4x16x384xf32, #tpu.memory_space<vmem>>, vector<1x1x1x16xf32>,
        %parallel_loop3A_254 = vector.shape_cast %parallel_loop3A_253 : vector<1x1x1x16xf32> to vector<16xf32>
        %parallel_loop3A_255 = vector.shape_cast %parallel_loop3A_239 : vector<16xf32> to vector<1x1x1x16xf32>
        tpu.vector_store %arg5[%parallel_loop3A_249, %parallel_loop3A_250, %parallel_loop3A_251, %parallel_loop3A_252], %parallel_loop3A_255 {add = true, strides = array<i32>} : memref<4x4x16x384xf32, #tpu.memory_space<vmem>>, vector<1x1x1x16xf32>,
        %parallel_loop3A_256 = arith.constant 2 : i32
        %parallel_loop3A_257 = arith.index_cast %rem3A_130 : i32 to index
        %parallel_loop3A_258 = arith.index_cast %parallel_loop3A_256 : i32 to index
        %parallel_loop3A_259 = arith.index_cast %parallel_loop3A_197 : i32 to index
        %parallel_loop3A_260 = arith.constant 16 : index
        %parallel_loop3A_261 = tpu.vector_load %arg5[%parallel_loop3A_257, %parallel_loop3A_258, %parallel_loop3A_259, %parallel_loop3A_260] {strides = array<i32>} : memref<4x4x16x384xf32, #tpu.memory_space<vmem>>, vector<1x1x1x16xf32>,
        %parallel_loop3A_262 = vector.shape_cast %parallel_loop3A_261 : vector<1x1x1x16xf32> to vector<16xf32>
        %parallel_loop3A_263 = vector.shape_cast %parallel_loop3A_239 : vector<16xf32> to vector<1x1x1x16xf32>
        tpu.vector_store %arg5[%parallel_loop3A_257, %parallel_loop3A_258, %parallel_loop3A_259, %parallel_loop3A_260], %parallel_loop3A_263 {add = true, strides = array<i32>} : memref<4x4x16x384xf32, #tpu.memory_space<vmem>>, vector<1x1x1x16xf32>,
        %parallel_loop3A_264 = arith.constant 3 : i32
        %parallel_loop3A_265 = arith.index_cast %rem3A_130 : i32 to index
        %parallel_loop3A_266 = arith.index_cast %parallel_loop3A_264 : i32 to index
        %parallel_loop3A_267 = arith.index_cast %parallel_loop3A_197 : i32 to index
        %parallel_loop3A_268 = arith.constant 16 : index
        %parallel_loop3A_269 = tpu.vector_load %arg5[%parallel_loop3A_265, %parallel_loop3A_266, %parallel_loop3A_267, %parallel_loop3A_268] {strides = array<i32>} : memref<4x4x16x384xf32, #tpu.memory_space<vmem>>, vector<1x1x1x16xf32>,
        %parallel_loop3A_270 = vector.shape_cast %parallel_loop3A_269 : vector<1x1x1x16xf32> to vector<16xf32>
        %parallel_loop3A_271 = vector.shape_cast %parallel_loop3A_239 : vector<16xf32> to vector<1x1x1x16xf32>
        tpu.vector_store %arg5[%parallel_loop3A_265, %parallel_loop3A_266, %parallel_loop3A_267, %parallel_loop3A_268], %parallel_loop3A_271 {add = true, strides = array<i32>} : memref<4x4x16x384xf32, #tpu.memory_space<vmem>>, vector<1x1x1x16xf32>,
        %parallel_loop3A_272 = arith.index_cast %rem3A_130 : i32 to index
        %parallel_loop3A_273 = arith.index_cast %parallel_loop3A_197 : i32 to index
        %parallel_loop3A_274 = arith.constant 32 : index
        %parallel_loop3A_275 = tpu.vector_load %arg6[%parallel_loop3A_272, %parallel_loop3A_273, %parallel_loop3A_274] {strides = array<i32>} : memref<4x16x384xf32, #tpu.memory_space<vmem>>, vector<1x1x16xf32>,
        %parallel_loop3A_276 = vector.shape_cast %parallel_loop3A_275 : vector<1x1x16xf32> to vector<16xf32>
        %parallel_loop3A_277 = arith.constant 0 : i32
        %parallel_loop3A_278 = arith.index_cast %rem3A_130 : i32 to index
        %parallel_loop3A_279 = arith.index_cast %parallel_loop3A_277 : i32 to index
        %parallel_loop3A_280 = arith.index_cast %parallel_loop3A_197 : i32 to index
        %parallel_loop3A_281 = arith.constant 32 : index
        %parallel_loop3A_282 = tpu.vector_load %arg5[%parallel_loop3A_278, %parallel_loop3A_279, %parallel_loop3A_280, %parallel_loop3A_281] {strides = array<i32>} : memref<4x4x16x384xf32, #tpu.memory_space<vmem>>, vector<1x1x1x16xf32>,
        %parallel_loop3A_283 = vector.shape_cast %parallel_loop3A_282 : vector<1x1x1x16xf32> to vector<16xf32>
        %parallel_loop3A_284 = vector.shape_cast %parallel_loop3A_276 : vector<16xf32> to vector<1x1x1x16xf32>
        tpu.vector_store %arg5[%parallel_loop3A_278, %parallel_loop3A_279, %parallel_loop3A_280, %parallel_loop3A_281], %parallel_loop3A_284 {add = true, strides = array<i32>} : memref<4x4x16x384xf32, #tpu.memory_space<vmem>>, vector<1x1x1x16xf32>,
        %parallel_loop3A_285 = arith.constant 1 : i32
        %parallel_loop3A_286 = arith.index_cast %rem3A_130 : i32 to index
        %parallel_loop3A_287 = arith.index_cast %parallel_loop3A_285 : i32 to index
        %parallel_loop3A_288 = arith.index_cast %parallel_loop3A_197 : i32 to index
        %parallel_loop3A_289 = arith.constant 32 : index
        %parallel_loop3A_290 = tpu.vector_load %arg5[%parallel_loop3A_286, %parallel_loop3A_287, %parallel_loop3A_288, %parallel_loop3A_289] {strides = array<i32>} : memref<4x4x16x384xf32, #tpu.memory_space<vmem>>, vector<1x1x1x16xf32>,
        %parallel_loop3A_291 = vector.shape_cast %parallel_loop3A_290 : vector<1x1x1x16xf32> to vector<16xf32>
        %parallel_loop3A_292 = vector.shape_cast %parallel_loop3A_276 : vector<16xf32> to vector<1x1x1x16xf32>
        tpu.vector_store %arg5[%parallel_loop3A_286, %parallel_loop3A_287, %parallel_loop3A_288, %parallel_loop3A_289], %parallel_loop3A_292 {add = true, strides = array<i32>} : memref<4x4x16x384xf32, #tpu.memory_space<vmem>>, vector<1x1x1x16xf32>,
        %parallel_loop3A_293 = arith.constant 2 : i32
        %parallel_loop3A_294 = arith.index_cast %rem3A_130 : i32 to index
        %parallel_loop3A_295 = arith.index_cast %parallel_loop3A_293 : i32 to index
        %parallel_loop3A_296 = arith.index_cast %parallel_loop3A_197 : i32 to index
        %parallel_loop3A_297 = arith.constant 32 : index
        %parallel_loop3A_298 = tpu.vector_load %arg5[%parallel_loop3A_294, %parallel_loop3A_295, %parallel_loop3A_296, %parallel_loop3A_297] {strides = array<i32>} : memref<4x4x16x384xf32, #tpu.memory_space<vmem>>, vector<1x1x1x16xf32>,
        %parallel_loop3A_299 = vector.shape_cast %parallel_loop3A_298 : vector<1x1x1x16xf32> to vector<16xf32>
        %parallel_loop3A_300 = vector.shape_cast %parallel_loop3A_276 : vector<16xf32> to vector<1x1x1x16xf32>
        tpu.vector_store %arg5[%parallel_loop3A_294, %parallel_loop3A_295, %parallel_loop3A_296, %parallel_loop3A_297], %parallel_loop3A_300 {add = true, strides = array<i32>} : memref<4x4x16x384xf32, #tpu.memory_space<vmem>>, vector<1x1x1x16xf32>,
        %parallel_loop3A_301 = arith.constant 3 : i32
        %parallel_loop3A_302 = arith.index_cast %rem3A_130 : i32 to index
        %parallel_loop3A_303 = arith.index_cast %parallel_loop3A_301 : i32 to index
        %parallel_loop3A_304 = arith.index_cast %parallel_loop3A_197 : i32 to index
        %parallel_loop3A_305 = arith.constant 32 : index
        %parallel_loop3A_306 = tpu.vector_load %arg5[%parallel_loop3A_302, %parallel_loop3A_303, %parallel_loop3A_304, %parallel_loop3A_305] {strides = array<i32>} : memref<4x4x16x384xf32, #tpu.memory_space<vmem>>, vector<1x1x1x16xf32>,
        %parallel_loop3A_307 = vector.shape_cast %parallel_loop3A_306 : vector<1x1x1x16xf32> to vector<16xf32>
        %parallel_loop3A_308 = vector.shape_cast %parallel_loop3A_276 : vector<16xf32> to vector<1x1x1x16xf32>
        tpu.vector_store %arg5[%parallel_loop3A_302, %parallel_loop3A_303, %parallel_loop3A_304, %parallel_loop3A_305], %parallel_loop3A_308 {add = true, strides = array<i32>} : memref<4x4x16x384xf32, #tpu.memory_space<vmem>>, vector<1x1x1x16xf32>,
        %parallel_loop3A_309 = arith.index_cast %rem3A_130 : i32 to index
        %parallel_loop3A_310 = arith.index_cast %parallel_loop3A_197 : i32 to index
        %parallel_loop3A_311 = arith.constant 48 : index
        %parallel_loop3A_312 = tpu.vector_load %arg6[%parallel_loop3A_309, %parallel_loop3A_310, %parallel_loop3A_311] {strides = array<i32>} : memref<4x16x384xf32, #tpu.memory_space<vmem>>, vector<1x1x16xf32>,
        %parallel_loop3A_313 = vector.shape_cast %parallel_loop3A_312 : vector<1x1x16xf32> to vector<16xf32>
        %parallel_loop3A_314 = arith.constant 0 : i32
        %parallel_loop3A_315 = arith.index_cast %rem3A_130 : i32 to index
        %parallel_loop3A_316 = arith.index_cast %parallel_loop3A_314 : i32 to index
        %parallel_loop3A_317 = arith.index_cast %parallel_loop3A_197 : i32 to index
        %parallel_loop3A_318 = arith.constant 48 : index
        %parallel_loop3A_319 = tpu.vector_load %arg5[%parallel_loop3A_315, %parallel_loop3A_316, %parallel_loop3A_317, %parallel_loop3A_318] {strides = array<i32>} : memref<4x4x16x384xf32, #tpu.memory_space<vmem>>, vector<1x1x1x16xf32>,
        %parallel_loop3A_320 = vector.shape_cast %parallel_loop3A_319 : vector<1x1x1x16xf32> to vector<16xf32>
        %parallel_loop3A_321 = vector.shape_cast %parallel_loop3A_313 : vector<16xf32> to vector<1x1x1x16xf32>
        tpu.vector_store %arg5[%parallel_loop3A_315, %parallel_loop3A_316, %parallel_loop3A_317, %parallel_loop3A_318], %parallel_loop3A_321 {add = true, strides = array<i32>} : memref<4x4x16x384xf32, #tpu.memory_space<vmem>>, vector<1x1x1x16xf32>,
        %parallel_loop3A_322 = arith.constant 1 : i32
        %parallel_loop3A_323 = arith.index_cast %rem3A_130 : i32 to index
        %parallel_loop3A_324 = arith.index_cast %parallel_loop3A_322 : i32 to index
        %parallel_loop3A_325 = arith.index_cast %parallel_loop3A_197 : i32 to index
        %parallel_loop3A_326 = arith.constant 48 : index
        %parallel_loop3A_327 = tpu.vector_load %arg5[%parallel_loop3A_323, %parallel_loop3A_324, %parallel_loop3A_325, %parallel_loop3A_326] {strides = array<i32>} : memref<4x4x16x384xf32, #tpu.memory_space<vmem>>, vector<1x1x1x16xf32>,
        %parallel_loop3A_328 = vector.shape_cast %parallel_loop3A_327 : vector<1x1x1x16xf32> to vector<16xf32>
        %parallel_loop3A_329 = vector.shape_cast %parallel_loop3A_313 : vector<16xf32> to vector<1x1x1x16xf32>
        tpu.vector_store %arg5[%parallel_loop3A_323, %parallel_loop3A_324, %parallel_loop3A_325, %parallel_loop3A_326], %parallel_loop3A_329 {add = true, strides = array<i32>} : memref<4x4x16x384xf32, #tpu.memory_space<vmem>>, vector<1x1x1x16xf32>,
        %parallel_loop3A_330 = arith.constant 2 : i32
        %parallel_loop3A_331 = arith.index_cast %rem3A_130 : i32 to index
        %parallel_loop3A_332 = arith.index_cast %parallel_loop3A_330 : i32 to index
        %parallel_loop3A_333 = arith.index_cast %parallel_loop3A_197 : i32 to index
        %parallel_loop3A_334 = arith.constant 48 : index
        %parallel_loop3A_335 = tpu.vector_load %arg5[%parallel_loop3A_331, %parallel_loop3A_332, %parallel_loop3A_333, %parallel_loop3A_334] {strides = array<i32>} : memref<4x4x16x384xf32, #tpu.memory_space<vmem>>, vector<1x1x1x16xf32>,
        %parallel_loop3A_336 = vector.shape_cast %parallel_loop3A_335 : vector<1x1x1x16xf32> to vector<16xf32>
        %parallel_loop3A_337 = vector.shape_cast %parallel_loop3A_313 : vector<16xf32> to vector<1x1x1x16xf32>
        tpu.vector_store %arg5[%parallel_loop3A_331, %parallel_loop3A_332, %parallel_loop3A_333, %parallel_loop3A_334], %parallel_loop3A_337 {add = true, strides = array<i32>} : memref<4x4x16x384xf32, #tpu.memory_space<vmem>>, vector<1x1x1x16xf32>,
        %parallel_loop3A_338 = arith.constant 3 : i32
        %parallel_loop3A_339 = arith.index_cast %rem3A_130 : i32 to index
        %parallel_loop3A_340 = arith.index_cast %parallel_loop3A_338 : i32 to index
        %parallel_loop3A_341 = arith.index_cast %parallel_loop3A_197 : i32 to index
        %parallel_loop3A_342 = arith.constant 48 : index
        %parallel_loop3A_343 = tpu.vector_load %arg5[%parallel_loop3A_339, %parallel_loop3A_340, %parallel_loop3A_341, %parallel_loop3A_342] {strides = array<i32>} : memref<4x4x16x384xf32, #tpu.memory_space<vmem>>, vector<1x1x1x16xf32>,
        %parallel_loop3A_344 = vector.shape_cast %parallel_loop3A_343 : vector<1x1x1x16xf32> to vector<16xf32>
        %parallel_loop3A_345 = vector.shape_cast %parallel_loop3A_313 : vector<16xf32> to vector<1x1x1x16xf32>
        tpu.vector_store %arg5[%parallel_loop3A_339, %parallel_loop3A_340, %parallel_loop3A_341, %parallel_loop3A_342], %parallel_loop3A_345 {add = true, strides = array<i32>} : memref<4x4x16x384xf32, #tpu.memory_space<vmem>>, vector<1x1x1x16xf32>,
        %parallel_loop3A_346 = arith.index_cast %rem3A_130 : i32 to index
        %parallel_loop3A_347 = arith.index_cast %parallel_loop3A_197 : i32 to index
        %parallel_loop3A_348 = arith.constant 64 : index
        %parallel_loop3A_349 = tpu.vector_load %arg6[%parallel_loop3A_346, %parallel_loop3A_347, %parallel_loop3A_348] {strides = array<i32>} : memref<4x16x384xf32, #tpu.memory_space<vmem>>, vector<1x1x16xf32>,
        %parallel_loop3A_350 = vector.shape_cast %parallel_loop3A_349 : vector<1x1x16xf32> to vector<16xf32>
        %parallel_loop3A_351 = arith.constant 0 : i32
        %parallel_loop3A_352 = arith.index_cast %rem3A_130 : i32 to index
        %parallel_loop3A_353 = arith.index_cast %parallel_loop3A_351 : i32 to index
        %parallel_loop3A_354 = arith.index_cast %parallel_loop3A_197 : i32 to index
        %parallel_loop3A_355 = arith.constant 64 : index
        %parallel_loop3A_356 = tpu.vector_load %arg5[%parallel_loop3A_352, %parallel_loop3A_353, %parallel_loop3A_354, %parallel_loop3A_355] {strides = array<i32>} : memref<4x4x16x384xf32, #tpu.memory_space<vmem>>, vector<1x1x1x16xf32>,
        %parallel_loop3A_357 = vector.shape_cast %parallel_loop3A_356 : vector<1x1x1x16xf32> to vector<16xf32>
        %parallel_loop3A_358 = vector.shape_cast %parallel_loop3A_350 : vector<16xf32> to vector<1x1x1x16xf32>
        tpu.vector_store %arg5[%parallel_loop3A_352, %parallel_loop3A_353, %parallel_loop3A_354, %parallel_loop3A_355], %parallel_loop3A_358 {add = true, strides = array<i32>} : memref<4x4x16x384xf32, #tpu.memory_space<vmem>>, vector<1x1x1x16xf32>,
        %parallel_loop3A_359 = arith.constant 1 : i32
        %parallel_loop3A_360 = arith.index_cast %rem3A_130 : i32 to index
        %parallel_loop3A_361 = arith.index_cast %parallel_loop3A_359 : i32 to index
        %parallel_loop3A_362 = arith.index_cast %parallel_loop3A_197 : i32 to index
        %parallel_loop3A_363 = arith.constant 64 : index
        %parallel_loop3A_364 = tpu.vector_load %arg5[%parallel_loop3A_360, %parallel_loop3A_361, %parallel_loop3A_362, %parallel_loop3A_363] {strides = array<i32>} : memref<4x4x16x384xf32, #tpu.memory_space<vmem>>, vector<1x1x1x16xf32>,
        %parallel_loop3A_365 = vector.shape_cast %parallel_loop3A_364 : vector<1x1x1x16xf32> to vector<16xf32>
        %parallel_loop3A_366 = vector.shape_cast %parallel_loop3A_350 : vector<16xf32> to vector<1x1x1x16xf32>
        tpu.vector_store %arg5[%parallel_loop3A_360, %parallel_loop3A_361, %parallel_loop3A_362, %parallel_loop3A_363], %parallel_loop3A_366 {add = true, strides = array<i32>} : memref<4x4x16x384xf32, #tpu.memory_space<vmem>>, vector<1x1x1x16xf32>,
        %parallel_loop3A_367 = arith.constant 2 : i32
        %parallel_loop3A_368 = arith.index_cast %rem3A_130 : i32 to index
        %parallel_loop3A_369 = arith.index_cast %parallel_loop3A_367 : i32 to index
        %parallel_loop3A_370 = arith.index_cast %parallel_loop3A_197 : i32 to index
        %parallel_loop3A_371 = arith.constant 64 : index
        %parallel_loop3A_372 = tpu.vector_load %arg5[%parallel_loop3A_368, %parallel_loop3A_369, %parallel_loop3A_370, %parallel_loop3A_371] {strides = array<i32>} : memref<4x4x16x384xf32, #tpu.memory_space<vmem>>, vector<1x1x1x16xf32>,
        %parallel_loop3A_373 = vector.shape_cast %parallel_loop3A_372 : vector<1x1x1x16xf32> to vector<16xf32>
        %parallel_loop3A_374 = vector.shape_cast %parallel_loop3A_350 : vector<16xf32> to vector<1x1x1x16xf32>
        tpu.vector_store %arg5[%parallel_loop3A_368, %parallel_loop3A_369, %parallel_loop3A_370, %parallel_loop3A_371], %parallel_loop3A_374 {add = true, strides = array<i32>} : memref<4x4x16x384xf32, #tpu.memory_space<vmem>>, vector<1x1x1x16xf32>,
        %parallel_loop3A_375 = arith.constant 3 : i32
        %parallel_loop3A_376 = arith.index_cast %rem3A_130 : i32 to index
        %parallel_loop3A_377 = arith.index_cast %parallel_loop3A_375 : i32 to index
        %parallel_loop3A_378 = arith.index_cast %parallel_loop3A_197 : i32 to index
        %parallel_loop3A_379 = arith.constant 64 : index
        %parallel_loop3A_380 = tpu.vector_load %arg5[%parallel_loop3A_376, %parallel_loop3A_377, %parallel_loop3A_378, %parallel_loop3A_379] {strides = array<i32>} : memref<4x4x16x384xf32, #tpu.memory_space<vmem>>, vector<1x1x1x16xf32>,
        %parallel_loop3A_381 = vector.shape_cast %parallel_loop3A_380 : vector<1x1x1x16xf32> to vector<16xf32>
        %parallel_loop3A_382 = vector.shape_cast %parallel_loop3A_350 : vector<16xf32> to vector<1x1x1x16xf32>
        tpu.vector_store %arg5[%parallel_loop3A_376, %parallel_loop3A_377, %parallel_loop3A_378, %parallel_loop3A_379], %parallel_loop3A_382 {add = true, strides = array<i32>} : memref<4x4x16x384xf32, #tpu.memory_space<vmem>>, vector<1x1x1x16xf32>,
        %parallel_loop3A_383 = arith.index_cast %rem3A_130 : i32 to index
        %parallel_loop3A_384 = arith.index_cast %parallel_loop3A_197 : i32 to index
        %parallel_loop3A_385 = arith.constant 80 : index
        %parallel_loop3A_386 = tpu.vector_load %arg6[%parallel_loop3A_383, %parallel_loop3A_384, %parallel_loop3A_385] {strides = array<i32>} : memref<4x16x384xf32, #tpu.memory_space<vmem>>, vector<1x1x16xf32>,
        %parallel_loop3A_387 = vector.shape_cast %parallel_loop3A_386 : vector<1x1x16xf32> to vector<16xf32>
        %parallel_loop3A_388 = arith.constant 0 : i32
        %parallel_loop3A_389 = arith.index_cast %rem3A_130 : i32 to index
        %parallel_loop3A_390 = arith.index_cast %parallel_loop3A_388 : i32 to index
        %parallel_loop3A_391 = arith.index_cast %parallel_loop3A_197 : i32 to index
        %parallel_loop3A_392 = arith.constant 80 : index
        %parallel_loop3A_393 = tpu.vector_load %arg5[%parallel_loop3A_389, %parallel_loop3A_390, %parallel_loop3A_391, %parallel_loop3A_392] {strides = array<i32>} : memref<4x4x16x384xf32, #tpu.memory_space<vmem>>, vector<1x1x1x16xf32>,
        %parallel_loop3A_394 = vector.shape_cast %parallel_loop3A_393 : vector<1x1x1x16xf32> to vector<16xf32>
        %parallel_loop3A_395 = vector.shape_cast %parallel_loop3A_387 : vector<16xf32> to vector<1x1x1x16xf32>
        tpu.vector_store %arg5[%parallel_loop3A_389, %parallel_loop3A_390, %parallel_loop3A_391, %parallel_loop3A_392], %parallel_loop3A_395 {add = true, strides = array<i32>} : memref<4x4x16x384xf32, #tpu.memory_space<vmem>>, vector<1x1x1x16xf32>,
        %parallel_loop3A_396 = arith.constant 1 : i32
        %parallel_loop3A_397 = arith.index_cast %rem3A_130 : i32 to index
        %parallel_loop3A_398 = arith.index_cast %parallel_loop3A_396 : i32 to index
        %parallel_loop3A_399 = arith.index_cast %parallel_loop3A_197 : i32 to index
        %parallel_loop3A_400 = arith.constant 80 : index
        %parallel_loop3A_401 = tpu.vector_load %arg5[%parallel_loop3A_397, %parallel_loop3A_398, %parallel_loop3A_399, %parallel_loop3A_400] {strides = array<i32>} : memref<4x4x16x384xf32, #tpu.memory_space<vmem>>, vector<1x1x1x16xf32>,
        %parallel_loop3A_402 = vector.shape_cast %parallel_loop3A_401 : vector<1x1x1x16xf32> to vector<16xf32>
        %parallel_loop3A_403 = vector.shape_cast %parallel_loop3A_387 : vector<16xf32> to vector<1x1x1x16xf32>
        tpu.vector_store %arg5[%parallel_loop3A_397, %parallel_loop3A_398, %parallel_loop3A_399, %parallel_loop3A_400], %parallel_loop3A_403 {add = true, strides = array<i32>} : memref<4x4x16x384xf32, #tpu.memory_space<vmem>>, vector<1x1x1x16xf32>,
        %parallel_loop3A_404 = arith.constant 2 : i32
        %parallel_loop3A_405 = arith.index_cast %rem3A_130 : i32 to index
        %parallel_loop3A_406 = arith.index_cast %parallel_loop3A_404 : i32 to index
        %parallel_loop3A_407 = arith.index_cast %parallel_loop3A_197 : i32 to index
        %parallel_loop3A_408 = arith.constant 80 : index
        %parallel_loop3A_409 = tpu.vector_load %arg5[%parallel_loop3A_405, %parallel_loop3A_406, %parallel_loop3A_407, %parallel_loop3A_408] {strides = array<i32>} : memref<4x4x16x384xf32, #tpu.memory_space<vmem>>, vector<1x1x1x16xf32>,
        %parallel_loop3A_410 = vector.shape_cast %parallel_loop3A_409 : vector<1x1x1x16xf32> to vector<16xf32>
        %parallel_loop3A_411 = vector.shape_cast %parallel_loop3A_387 : vector<16xf32> to vector<1x1x1x16xf32>
        tpu.vector_store %arg5[%parallel_loop3A_405, %parallel_loop3A_406, %parallel_loop3A_407, %parallel_loop3A_408], %parallel_loop3A_411 {add = true, strides = array<i32>} : memref<4x4x16x384xf32, #tpu.memory_space<vmem>>, vector<1x1x1x16xf32>,
        %parallel_loop3A_412 = arith.constant 3 : i32
        %parallel_loop3A_413 = arith.index_cast %rem3A_130 : i32 to index
        %parallel_loop3A_414 = arith.index_cast %parallel_loop3A_412 : i32 to index
        %parallel_loop3A_415 = arith.index_cast %parallel_loop3A_197 : i32 to index
        %parallel_loop3A_416 = arith.constant 80 : index
        %parallel_loop3A_417 = tpu.vector_load %arg5[%parallel_loop3A_413, %parallel_loop3A_414, %parallel_loop3A_415, %parallel_loop3A_416] {strides = array<i32>} : memref<4x4x16x384xf32, #tpu.memory_space<vmem>>, vector<1x1x1x16xf32>,
        %parallel_loop3A_418 = vector.shape_cast %parallel_loop3A_417 : vector<1x1x1x16xf32> to vector<16xf32>
        %parallel_loop3A_419 = vector.shape_cast %parallel_loop3A_387 : vector<16xf32> to vector<1x1x1x16xf32>
        tpu.vector_store %arg5[%parallel_loop3A_413, %parallel_loop3A_414, %parallel_loop3A_415, %parallel_loop3A_416], %parallel_loop3A_419 {add = true, strides = array<i32>} : memref<4x4x16x384xf32, #tpu.memory_space<vmem>>, vector<1x1x1x16xf32>,
        %parallel_loop3A_420 = arith.index_cast %rem3A_130 : i32 to index
        %parallel_loop3A_421 = arith.index_cast %parallel_loop3A_197 : i32 to index
        %parallel_loop3A_422 = arith.constant 96 : index
        %parallel_loop3A_423 = tpu.vector_load %arg6[%parallel_loop3A_420, %parallel_loop3A_421, %parallel_loop3A_422] {strides = array<i32>} : memref<4x16x384xf32, #tpu.memory_space<vmem>>, vector<1x1x16xf32>,
        %parallel_loop3A_424 = vector.shape_cast %parallel_loop3A_423 : vector<1x1x16xf32> to vector<16xf32>
        %parallel_loop3A_425 = arith.constant 0 : i32
        %parallel_loop3A_426 = arith.index_cast %rem3A_130 : i32 to index
        %parallel_loop3A_427 = arith.index_cast %parallel_loop3A_425 : i32 to index
        %parallel_loop3A_428 = arith.index_cast %parallel_loop3A_197 : i32 to index
        %parallel_loop3A_429 = arith.constant 96 : index
        %parallel_loop3A_430 = tpu.vector_load %arg5[%parallel_loop3A_426, %parallel_loop3A_427, %parallel_loop3A_428, %parallel_loop3A_429] {strides = array<i32>} : memref<4x4x16x384xf32, #tpu.memory_space<vmem>>, vector<1x1x1x16xf32>,
        %parallel_loop3A_431 = vector.shape_cast %parallel_loop3A_430 : vector<1x1x1x16xf32> to vector<16xf32>
        %parallel_loop3A_432 = vector.shape_cast %parallel_loop3A_424 : vector<16xf32> to vector<1x1x1x16xf32>
        tpu.vector_store %arg5[%parallel_loop3A_426, %parallel_loop3A_427, %parallel_loop3A_428, %parallel_loop3A_429], %parallel_loop3A_432 {add = true, strides = array<i32>} : memref<4x4x16x384xf32, #tpu.memory_space<vmem>>, vector<1x1x1x16xf32>,
        %parallel_loop3A_433 = arith.constant 1 : i32
        %parallel_loop3A_434 = arith.index_cast %rem3A_130 : i32 to index
        %parallel_loop3A_435 = arith.index_cast %parallel_loop3A_433 : i32 to index
        %parallel_loop3A_436 = arith.index_cast %parallel_loop3A_197 : i32 to index
        %parallel_loop3A_437 = arith.constant 96 : index
        %parallel_loop3A_438 = tpu.vector_load %arg5[%parallel_loop3A_434, %parallel_loop3A_435, %parallel_loop3A_436, %parallel_loop3A_437] {strides = array<i32>} : memref<4x4x16x384xf32, #tpu.memory_space<vmem>>, vector<1x1x1x16xf32>,
        %parallel_loop3A_439 = vector.shape_cast %parallel_loop3A_438 : vector<1x1x1x16xf32> to vector<16xf32>
        %parallel_loop3A_440 = vector.shape_cast %parallel_loop3A_424 : vector<16xf32> to vector<1x1x1x16xf32>
        tpu.vector_store %arg5[%parallel_loop3A_434, %parallel_loop3A_435, %parallel_loop3A_436, %parallel_loop3A_437], %parallel_loop3A_440 {add = true, strides = array<i32>} : memref<4x4x16x384xf32, #tpu.memory_space<vmem>>, vector<1x1x1x16xf32>,
        %parallel_loop3A_441 = arith.constant 2 : i32
        %parallel_loop3A_442 = arith.index_cast %rem3A_130 : i32 to index
        %parallel_loop3A_443 = arith.index_cast %parallel_loop3A_441 : i32 to index
        %parallel_loop3A_444 = arith.index_cast %parallel_loop3A_197 : i32 to index
        %parallel_loop3A_445 = arith.constant 96 : index
        %parallel_loop3A_446 = tpu.vector_load %arg5[%parallel_loop3A_442, %parallel_loop3A_443, %parallel_loop3A_444, %parallel_loop3A_445] {strides = array<i32>} : memref<4x4x16x384xf32, #tpu.memory_space<vmem>>, vector<1x1x1x16xf32>,
        %parallel_loop3A_447 = vector.shape_cast %parallel_loop3A_446 : vector<1x1x1x16xf32> to vector<16xf32>
        %parallel_loop3A_448 = vector.shape_cast %parallel_loop3A_424 : vector<16xf32> to vector<1x1x1x16xf32>
        tpu.vector_store %arg5[%parallel_loop3A_442, %parallel_loop3A_443, %parallel_loop3A_444, %parallel_loop3A_445], %parallel_loop3A_448 {add = true, strides = array<i32>} : memref<4x4x16x384xf32, #tpu.memory_space<vmem>>, vector<1x1x1x16xf32>,
        %parallel_loop3A_449 = arith.constant 3 : i32
        %parallel_loop3A_450 = arith.index_cast %rem3A_130 : i32 to index
        %parallel_loop3A_451 = arith.index_cast %parallel_loop3A_449 : i32 to index
        %parallel_loop3A_452 = arith.index_cast %parallel_loop3A_197 : i32 to index
        %parallel_loop3A_453 = arith.constant 96 : index
        %parallel_loop3A_454 = tpu.vector_load %arg5[%parallel_loop3A_450, %parallel_loop3A_451, %parallel_loop3A_452, %parallel_loop3A_453] {strides = array<i32>} : memref<4x4x16x384xf32, #tpu.memory_space<vmem>>, vector<1x1x1x16xf32>,
        %parallel_loop3A_455 = vector.shape_cast %parallel_loop3A_454 : vector<1x1x1x16xf32> to vector<16xf32>
        %parallel_loop3A_456 = vector.shape_cast %parallel_loop3A_424 : vector<16xf32> to vector<1x1x1x16xf32>
        tpu.vector_store %arg5[%parallel_loop3A_450, %parallel_loop3A_451, %parallel_loop3A_452, %parallel_loop3A_453], %parallel_loop3A_456 {add = true, strides = array<i32>} : memref<4x4x16x384xf32, #tpu.memory_space<vmem>>, vector<1x1x1x16xf32>,
        %parallel_loop3A_457 = arith.index_cast %rem3A_130 : i32 to index
        %parallel_loop3A_458 = arith.index_cast %parallel_loop3A_197 : i32 to index
        %parallel_loop3A_459 = arith.constant 112 : index
        %parallel_loop3A_460 = tpu.vector_load %arg6[%parallel_loop3A_457, %parallel_loop3A_458, %parallel_loop3A_459] {strides = array<i32>} : memref<4x16x384xf32, #tpu.memory_space<vmem>>, vector<1x1x16xf32>,
        %parallel_loop3A_461 = vector.shape_cast %parallel_loop3A_460 : vector<1x1x16xf32> to vector<16xf32>
        %parallel_loop3A_462 = arith.constant 0 : i32
        %parallel_loop3A_463 = arith.index_cast %rem3A_130 : i32 to index
        %parallel_loop3A_464 = arith.index_cast %parallel_loop3A_462 : i32 to index
        %parallel_loop3A_465 = arith.index_cast %parallel_loop3A_197 : i32 to index
        %parallel_loop3A_466 = arith.constant 112 : index
        %parallel_loop3A_467 = tpu.vector_load %arg5[%parallel_loop3A_463, %parallel_loop3A_464, %parallel_loop3A_465, %parallel_loop3A_466] {strides = array<i32>} : memref<4x4x16x384xf32, #tpu.memory_space<vmem>>, vector<1x1x1x16xf32>,
        %parallel_loop3A_468 = vector.shape_cast %parallel_loop3A_467 : vector<1x1x1x16xf32> to vector<16xf32>
        %parallel_loop3A_469 = vector.shape_cast %parallel_loop3A_461 : vector<16xf32> to vector<1x1x1x16xf32>
        tpu.vector_store %arg5[%parallel_loop3A_463, %parallel_loop3A_464, %parallel_loop3A_465, %parallel_loop3A_466], %parallel_loop3A_469 {add = true, strides = array<i32>} : memref<4x4x16x384xf32, #tpu.memory_space<vmem>>, vector<1x1x1x16xf32>,
        %parallel_loop3A_470 = arith.constant 1 : i32
        %parallel_loop3A_471 = arith.index_cast %rem3A_130 : i32 to index
        %parallel_loop3A_472 = arith.index_cast %parallel_loop3A_470 : i32 to index
        %parallel_loop3A_473 = arith.index_cast %parallel_loop3A_197 : i32 to index
        %parallel_loop3A_474 = arith.constant 112 : index
        %parallel_loop3A_475 = tpu.vector_load %arg5[%parallel_loop3A_471, %parallel_loop3A_472, %parallel_loop3A_473, %parallel_loop3A_474] {strides = array<i32>} : memref<4x4x16x384xf32, #tpu.memory_space<vmem>>, vector<1x1x1x16xf32>,
        %parallel_loop3A_476 = vector.shape_cast %parallel_loop3A_475 : vector<1x1x1x16xf32> to vector<16xf32>
        %parallel_loop3A_477 = vector.shape_cast %parallel_loop3A_461 : vector<16xf32> to vector<1x1x1x16xf32>
        tpu.vector_store %arg5[%parallel_loop3A_471, %parallel_loop3A_472, %parallel_loop3A_473, %parallel_loop3A_474], %parallel_loop3A_477 {add = true, strides = array<i32>} : memref<4x4x16x384xf32, #tpu.memory_space<vmem>>, vector<1x1x1x16xf32>,
        %parallel_loop3A_478 = arith.constant 2 : i32
        %parallel_loop3A_479 = arith.index_cast %rem3A_130 : i32 to index
        %parallel_loop3A_480 = arith.index_cast %parallel_loop3A_478 : i32 to index
        %parallel_loop3A_481 = arith.index_cast %parallel_loop3A_197 : i32 to index
        %parallel_loop3A_482 = arith.constant 112 : index
        %parallel_loop3A_483 = tpu.vector_load %arg5[%parallel_loop3A_479, %parallel_loop3A_480, %parallel_loop3A_481, %parallel_loop3A_482] {strides = array<i32>} : memref<4x4x16x384xf32, #tpu.memory_space<vmem>>, vector<1x1x1x16xf32>,
        %parallel_loop3A_484 = vector.shape_cast %parallel_loop3A_483 : vector<1x1x1x16xf32> to vector<16xf32>
        %parallel_loop3A_485 = vector.shape_cast %parallel_loop3A_461 : vector<16xf32> to vector<1x1x1x16xf32>
        tpu.vector_store %arg5[%parallel_loop3A_479, %parallel_loop3A_480, %parallel_loop3A_481, %parallel_loop3A_482], %parallel_loop3A_485 {add = true, strides = array<i32>} : memref<4x4x16x384xf32, #tpu.memory_space<vmem>>, vector<1x1x1x16xf32>,
        %parallel_loop3A_486 = arith.constant 3 : i32
        %parallel_loop3A_487 = arith.index_cast %rem3A_130 : i32 to index
        %parallel_loop3A_488 = arith.index_cast %parallel_loop3A_486 : i32 to index
        %parallel_loop3A_489 = arith.index_cast %parallel_loop3A_197 : i32 to index
        %parallel_loop3A_490 = arith.constant 112 : index
        %parallel_loop3A_491 = tpu.vector_load %arg5[%parallel_loop3A_487, %parallel_loop3A_488, %parallel_loop3A_489, %parallel_loop3A_490] {strides = array<i32>} : memref<4x4x16x384xf32, #tpu.memory_space<vmem>>, vector<1x1x1x16xf32>,
        %parallel_loop3A_492 = vector.shape_cast %parallel_loop3A_491 : vector<1x1x1x16xf32> to vector<16xf32>
        %parallel_loop3A_493 = vector.shape_cast %parallel_loop3A_461 : vector<16xf32> to vector<1x1x1x16xf32>
        tpu.vector_store %arg5[%parallel_loop3A_487, %parallel_loop3A_488, %parallel_loop3A_489, %parallel_loop3A_490], %parallel_loop3A_493 {add = true, strides = array<i32>} : memref<4x4x16x384xf32, #tpu.memory_space<vmem>>, vector<1x1x1x16xf32>,
        %parallel_loop3A_494 = arith.index_cast %rem3A_130 : i32 to index
        %parallel_loop3A_495 = arith.index_cast %parallel_loop3A_197 : i32 to index
        %parallel_loop3A_496 = arith.constant 128 : index
        %parallel_loop3A_497 = tpu.vector_load %arg6[%parallel_loop3A_494, %parallel_loop3A_495, %parallel_loop3A_496] {strides = array<i32>} : memref<4x16x384xf32, #tpu.memory_space<vmem>>, vector<1x1x16xf32>,
        %parallel_loop3A_498 = vector.shape_cast %parallel_loop3A_497 : vector<1x1x16xf32> to vector<16xf32>
        %parallel_loop3A_499 = arith.constant 0 : i32
        %parallel_loop3A_500 = arith.index_cast %rem3A_130 : i32 to index
        %parallel_loop3A_501 = arith.index_cast %parallel_loop3A_499 : i32 to index
        %parallel_loop3A_502 = arith.index_cast %parallel_loop3A_197 : i32 to index
        %parallel_loop3A_503 = arith.constant 128 : index
        %parallel_loop3A_504 = tpu.vector_load %arg5[%parallel_loop3A_500, %parallel_loop3A_501, %parallel_loop3A_502, %parallel_loop3A_503] {strides = array<i32>} : memref<4x4x16x384xf32, #tpu.memory_space<vmem>>, vector<1x1x1x16xf32>,
        %parallel_loop3A_505 = vector.shape_cast %parallel_loop3A_504 : vector<1x1x1x16xf32> to vector<16xf32>
        %parallel_loop3A_506 = vector.shape_cast %parallel_loop3A_498 : vector<16xf32> to vector<1x1x1x16xf32>
        tpu.vector_store %arg5[%parallel_loop3A_500, %parallel_loop3A_501, %parallel_loop3A_502, %parallel_loop3A_503], %parallel_loop3A_506 {add = true, strides = array<i32>} : memref<4x4x16x384xf32, #tpu.memory_space<vmem>>, vector<1x1x1x16xf32>,
        %parallel_loop3A_507 = arith.constant 1 : i32
        %parallel_loop3A_508 = arith.index_cast %rem3A_130 : i32 to index
        %parallel_loop3A_509 = arith.index_cast %parallel_loop3A_507 : i32 to index
        %parallel_loop3A_510 = arith.index_cast %parallel_loop3A_197 : i32 to index
        %parallel_loop3A_511 = arith.constant 128 : index
        %parallel_loop3A_512 = tpu.vector_load %arg5[%parallel_loop3A_508, %parallel_loop3A_509, %parallel_loop3A_510, %parallel_loop3A_511] {strides = array<i32>} : memref<4x4x16x384xf32, #tpu.memory_space<vmem>>, vector<1x1x1x16xf32>,
        %parallel_loop3A_513 = vector.shape_cast %parallel_loop3A_512 : vector<1x1x1x16xf32> to vector<16xf32>
        %parallel_loop3A_514 = vector.shape_cast %parallel_loop3A_498 : vector<16xf32> to vector<1x1x1x16xf32>
        tpu.vector_store %arg5[%parallel_loop3A_508, %parallel_loop3A_509, %parallel_loop3A_510, %parallel_loop3A_511], %parallel_loop3A_514 {add = true, strides = array<i32>} : memref<4x4x16x384xf32, #tpu.memory_space<vmem>>, vector<1x1x1x16xf32>,
        %parallel_loop3A_515 = arith.constant 2 : i32
        %parallel_loop3A_516 = arith.index_cast %rem3A_130 : i32 to index
        %parallel_loop3A_517 = arith.index_cast %parallel_loop3A_515 : i32 to index
        %parallel_loop3A_518 = arith.index_cast %parallel_loop3A_197 : i32 to index
        %parallel_loop3A_519 = arith.constant 128 : index
        %parallel_loop3A_520 = tpu.vector_load %arg5[%parallel_loop3A_516, %parallel_loop3A_517, %parallel_loop3A_518, %parallel_loop3A_519] {strides = array<i32>} : memref<4x4x16x384xf32, #tpu.memory_space<vmem>>, vector<1x1x1x16xf32>,
        %parallel_loop3A_521 = vector.shape_cast %parallel_loop3A_520 : vector<1x1x1x16xf32> to vector<16xf32>
        %parallel_loop3A_522 = vector.shape_cast %parallel_loop3A_498 : vector<16xf32> to vector<1x1x1x16xf32>
        tpu.vector_store %arg5[%parallel_loop3A_516, %parallel_loop3A_517, %parallel_loop3A_518, %parallel_loop3A_519], %parallel_loop3A_522 {add = true, strides = array<i32>} : memref<4x4x16x384xf32, #tpu.memory_space<vmem>>, vector<1x1x1x16xf32>,
        %parallel_loop3A_523 = arith.constant 3 : i32
        %parallel_loop3A_524 = arith.index_cast %rem3A_130 : i32 to index
        %parallel_loop3A_525 = arith.index_cast %parallel_loop3A_523 : i32 to index
        %parallel_loop3A_526 = arith.index_cast %parallel_loop3A_197 : i32 to index
        %parallel_loop3A_527 = arith.constant 128 : index
        %parallel_loop3A_528 = tpu.vector_load %arg5[%parallel_loop3A_524, %parallel_loop3A_525, %parallel_loop3A_526, %parallel_loop3A_527] {strides = array<i32>} : memref<4x4x16x384xf32, #tpu.memory_space<vmem>>, vector<1x1x1x16xf32>,
        %parallel_loop3A_529 = vector.shape_cast %parallel_loop3A_528 : vector<1x1x1x16xf32> to vector<16xf32>
        %parallel_loop3A_530 = vector.shape_cast %parallel_loop3A_498 : vector<16xf32> to vector<1x1x1x16xf32>
        tpu.vector_store %arg5[%parallel_loop3A_524, %parallel_loop3A_525, %parallel_loop3A_526, %parallel_loop3A_527], %parallel_loop3A_530 {add = true, strides = array<i32>} : memref<4x4x16x384xf32, #tpu.memory_space<vmem>>, vector<1x1x1x16xf32>,
        %parallel_loop3A_531 = arith.index_cast %rem3A_130 : i32 to index
        %parallel_loop3A_532 = arith.index_cast %parallel_loop3A_197 : i32 to index
        %parallel_loop3A_533 = arith.constant 144 : index
        %parallel_loop3A_534 = tpu.vector_load %arg6[%parallel_loop3A_531, %parallel_loop3A_532, %parallel_loop3A_533] {strides = array<i32>} : memref<4x16x384xf32, #tpu.memory_space<vmem>>, vector<1x1x16xf32>,
        %parallel_loop3A_535 = vector.shape_cast %parallel_loop3A_534 : vector<1x1x16xf32> to vector<16xf32>
        %parallel_loop3A_536 = arith.constant 0 : i32
        %parallel_loop3A_537 = arith.index_cast %rem3A_130 : i32 to index
        %parallel_loop3A_538 = arith.index_cast %parallel_loop3A_536 : i32 to index
        %parallel_loop3A_539 = arith.index_cast %parallel_loop3A_197 : i32 to index
        %parallel_loop3A_540 = arith.constant 144 : index
        %parallel_loop3A_541 = tpu.vector_load %arg5[%parallel_loop3A_537, %parallel_loop3A_538, %parallel_loop3A_539, %parallel_loop3A_540] {strides = array<i32>} : memref<4x4x16x384xf32, #tpu.memory_space<vmem>>, vector<1x1x1x16xf32>,
        %parallel_loop3A_542 = vector.shape_cast %parallel_loop3A_541 : vector<1x1x1x16xf32> to vector<16xf32>
        %parallel_loop3A_543 = vector.shape_cast %parallel_loop3A_535 : vector<16xf32> to vector<1x1x1x16xf32>
        tpu.vector_store %arg5[%parallel_loop3A_537, %parallel_loop3A_538, %parallel_loop3A_539, %parallel_loop3A_540], %parallel_loop3A_543 {add = true, strides = array<i32>} : memref<4x4x16x384xf32, #tpu.memory_space<vmem>>, vector<1x1x1x16xf32>,
        %parallel_loop3A_544 = arith.constant 1 : i32
        %parallel_loop3A_545 = arith.index_cast %rem3A_130 : i32 to index
        %parallel_loop3A_546 = arith.index_cast %parallel_loop3A_544 : i32 to index
        %parallel_loop3A_547 = arith.index_cast %parallel_loop3A_197 : i32 to index
        %parallel_loop3A_548 = arith.constant 144 : index
        %parallel_loop3A_549 = tpu.vector_load %arg5[%parallel_loop3A_545, %parallel_loop3A_546, %parallel_loop3A_547, %parallel_loop3A_548] {strides = array<i32>} : memref<4x4x16x384xf32, #tpu.memory_space<vmem>>, vector<1x1x1x16xf32>,
        %parallel_loop3A_550 = vector.shape_cast %parallel_loop3A_549 : vector<1x1x1x16xf32> to vector<16xf32>
        %parallel_loop3A_551 = vector.shape_cast %parallel_loop3A_535 : vector<16xf32> to vector<1x1x1x16xf32>
        tpu.vector_store %arg5[%parallel_loop3A_545, %parallel_loop3A_546, %parallel_loop3A_547, %parallel_loop3A_548], %parallel_loop3A_551 {add = true, strides = array<i32>} : memref<4x4x16x384xf32, #tpu.memory_space<vmem>>, vector<1x1x1x16xf32>,
        %parallel_loop3A_552 = arith.constant 2 : i32
        %parallel_loop3A_553 = arith.index_cast %rem3A_130 : i32 to index
        %parallel_loop3A_554 = arith.index_cast %parallel_loop3A_552 : i32 to index
        %parallel_loop3A_555 = arith.index_cast %parallel_loop3A_197 : i32 to index
        %parallel_loop3A_556 = arith.constant 144 : index
        %parallel_loop3A_557 = tpu.vector_load %arg5[%parallel_loop3A_553, %parallel_loop3A_554, %parallel_loop3A_555, %parallel_loop3A_556] {strides = array<i32>} : memref<4x4x16x384xf32, #tpu.memory_space<vmem>>, vector<1x1x1x16xf32>,
        %parallel_loop3A_558 = vector.shape_cast %parallel_loop3A_557 : vector<1x1x1x16xf32> to vector<16xf32>
        %parallel_loop3A_559 = vector.shape_cast %parallel_loop3A_535 : vector<16xf32> to vector<1x1x1x16xf32>
        tpu.vector_store %arg5[%parallel_loop3A_553, %parallel_loop3A_554, %parallel_loop3A_555, %parallel_loop3A_556], %parallel_loop3A_559 {add = true, strides = array<i32>} : memref<4x4x16x384xf32, #tpu.memory_space<vmem>>, vector<1x1x1x16xf32>,
        %parallel_loop3A_560 = arith.constant 3 : i32
        %parallel_loop3A_561 = arith.index_cast %rem3A_130 : i32 to index
        %parallel_loop3A_562 = arith.index_cast %parallel_loop3A_560 : i32 to index
        %parallel_loop3A_563 = arith.index_cast %parallel_loop3A_197 : i32 to index
        %parallel_loop3A_564 = arith.constant 144 : index
        %parallel_loop3A_565 = tpu.vector_load %arg5[%parallel_loop3A_561, %parallel_loop3A_562, %parallel_loop3A_563, %parallel_loop3A_564] {strides = array<i32>} : memref<4x4x16x384xf32, #tpu.memory_space<vmem>>, vector<1x1x1x16xf32>,
        %parallel_loop3A_566 = vector.shape_cast %parallel_loop3A_565 : vector<1x1x1x16xf32> to vector<16xf32>
        %parallel_loop3A_567 = vector.shape_cast %parallel_loop3A_535 : vector<16xf32> to vector<1x1x1x16xf32>
        tpu.vector_store %arg5[%parallel_loop3A_561, %parallel_loop3A_562, %parallel_loop3A_563, %parallel_loop3A_564], %parallel_loop3A_567 {add = true, strides = array<i32>} : memref<4x4x16x384xf32, #tpu.memory_space<vmem>>, vector<1x1x1x16xf32>,
        %parallel_loop3A_568 = arith.index_cast %rem3A_130 : i32 to index
        %parallel_loop3A_569 = arith.index_cast %parallel_loop3A_197 : i32 to index
        %parallel_loop3A_570 = arith.constant 160 : index
        %parallel_loop3A_571 = tpu.vector_load %arg6[%parallel_loop3A_568, %parallel_loop3A_569, %parallel_loop3A_570] {strides = array<i32>} : memref<4x16x384xf32, #tpu.memory_space<vmem>>, vector<1x1x16xf32>,
        %parallel_loop3A_572 = vector.shape_cast %parallel_loop3A_571 : vector<1x1x16xf32> to vector<16xf32>
        %parallel_loop3A_573 = arith.constant 0 : i32
        %parallel_loop3A_574 = arith.index_cast %rem3A_130 : i32 to index
        %parallel_loop3A_575 = arith.index_cast %parallel_loop3A_573 : i32 to index
        %parallel_loop3A_576 = arith.index_cast %parallel_loop3A_197 : i32 to index
        %parallel_loop3A_577 = arith.constant 160 : index
        %parallel_loop3A_578 = tpu.vector_load %arg5[%parallel_loop3A_574, %parallel_loop3A_575, %parallel_loop3A_576, %parallel_loop3A_577] {strides = array<i32>} : memref<4x4x16x384xf32, #tpu.memory_space<vmem>>, vector<1x1x1x16xf32>,
        %parallel_loop3A_579 = vector.shape_cast %parallel_loop3A_578 : vector<1x1x1x16xf32> to vector<16xf32>
        %parallel_loop3A_580 = vector.shape_cast %parallel_loop3A_572 : vector<16xf32> to vector<1x1x1x16xf32>
        tpu.vector_store %arg5[%parallel_loop3A_574, %parallel_loop3A_575, %parallel_loop3A_576, %parallel_loop3A_577], %parallel_loop3A_580 {add = true, strides = array<i32>} : memref<4x4x16x384xf32, #tpu.memory_space<vmem>>, vector<1x1x1x16xf32>,
        %parallel_loop3A_581 = arith.constant 1 : i32
        %parallel_loop3A_582 = arith.index_cast %rem3A_130 : i32 to index
        %parallel_loop3A_583 = arith.index_cast %parallel_loop3A_581 : i32 to index
        %parallel_loop3A_584 = arith.index_cast %parallel_loop3A_197 : i32 to index
        %parallel_loop3A_585 = arith.constant 160 : index
        %parallel_loop3A_586 = tpu.vector_load %arg5[%parallel_loop3A_582, %parallel_loop3A_583, %parallel_loop3A_584, %parallel_loop3A_585] {strides = array<i32>} : memref<4x4x16x384xf32, #tpu.memory_space<vmem>>, vector<1x1x1x16xf32>,
        %parallel_loop3A_587 = vector.shape_cast %parallel_loop3A_586 : vector<1x1x1x16xf32> to vector<16xf32>
        %parallel_loop3A_588 = vector.shape_cast %parallel_loop3A_572 : vector<16xf32> to vector<1x1x1x16xf32>
        tpu.vector_store %arg5[%parallel_loop3A_582, %parallel_loop3A_583, %parallel_loop3A_584, %parallel_loop3A_585], %parallel_loop3A_588 {add = true, strides = array<i32>} : memref<4x4x16x384xf32, #tpu.memory_space<vmem>>, vector<1x1x1x16xf32>,
        %parallel_loop3A_589 = arith.constant 2 : i32
        %parallel_loop3A_590 = arith.index_cast %rem3A_130 : i32 to index
        %parallel_loop3A_591 = arith.index_cast %parallel_loop3A_589 : i32 to index
        %parallel_loop3A_592 = arith.index_cast %parallel_loop3A_197 : i32 to index
        %parallel_loop3A_593 = arith.constant 160 : index
        %parallel_loop3A_594 = tpu.vector_load %arg5[%parallel_loop3A_590, %parallel_loop3A_591, %parallel_loop3A_592, %parallel_loop3A_593] {strides = array<i32>} : memref<4x4x16x384xf32, #tpu.memory_space<vmem>>, vector<1x1x1x16xf32>,
        %parallel_loop3A_595 = vector.shape_cast %parallel_loop3A_594 : vector<1x1x1x16xf32> to vector<16xf32>
        %parallel_loop3A_596 = vector.shape_cast %parallel_loop3A_572 : vector<16xf32> to vector<1x1x1x16xf32>
        tpu.vector_store %arg5[%parallel_loop3A_590, %parallel_loop3A_591, %parallel_loop3A_592, %parallel_loop3A_593], %parallel_loop3A_596 {add = true, strides = array<i32>} : memref<4x4x16x384xf32, #tpu.memory_space<vmem>>, vector<1x1x1x16xf32>,
        %parallel_loop3A_597 = arith.constant 3 : i32
        %parallel_loop3A_598 = arith.index_cast %rem3A_130 : i32 to index
        %parallel_loop3A_599 = arith.index_cast %parallel_loop3A_597 : i32 to index
        %parallel_loop3A_600 = arith.index_cast %parallel_loop3A_197 : i32 to index
        %parallel_loop3A_601 = arith.constant 160 : index
        %parallel_loop3A_602 = tpu.vector_load %arg5[%parallel_loop3A_598, %parallel_loop3A_599, %parallel_loop3A_600, %parallel_loop3A_601] {strides = array<i32>} : memref<4x4x16x384xf32, #tpu.memory_space<vmem>>, vector<1x1x1x16xf32>,
        %parallel_loop3A_603 = vector.shape_cast %parallel_loop3A_602 : vector<1x1x1x16xf32> to vector<16xf32>
        %parallel_loop3A_604 = vector.shape_cast %parallel_loop3A_572 : vector<16xf32> to vector<1x1x1x16xf32>
        tpu.vector_store %arg5[%parallel_loop3A_598, %parallel_loop3A_599, %parallel_loop3A_600, %parallel_loop3A_601], %parallel_loop3A_604 {add = true, strides = array<i32>} : memref<4x4x16x384xf32, #tpu.memory_space<vmem>>, vector<1x1x1x16xf32>,
        %parallel_loop3A_605 = arith.index_cast %rem3A_130 : i32 to index
        %parallel_loop3A_606 = arith.index_cast %parallel_loop3A_197 : i32 to index
        %parallel_loop3A_607 = arith.constant 176 : index
        %parallel_loop3A_608 = tpu.vector_load %arg6[%parallel_loop3A_605, %parallel_loop3A_606, %parallel_loop3A_607] {strides = array<i32>} : memref<4x16x384xf32, #tpu.memory_space<vmem>>, vector<1x1x16xf32>,
        %parallel_loop3A_609 = vector.shape_cast %parallel_loop3A_608 : vector<1x1x16xf32> to vector<16xf32>
        %parallel_loop3A_610 = arith.constant 0 : i32
        %parallel_loop3A_611 = arith.index_cast %rem3A_130 : i32 to index
        %parallel_loop3A_612 = arith.index_cast %parallel_loop3A_610 : i32 to index
        %parallel_loop3A_613 = arith.index_cast %parallel_loop3A_197 : i32 to index
        %parallel_loop3A_614 = arith.constant 176 : index
        %parallel_loop3A_615 = tpu.vector_load %arg5[%parallel_loop3A_611, %parallel_loop3A_612, %parallel_loop3A_613, %parallel_loop3A_614] {strides = array<i32>} : memref<4x4x16x384xf32, #tpu.memory_space<vmem>>, vector<1x1x1x16xf32>,
        %parallel_loop3A_616 = vector.shape_cast %parallel_loop3A_615 : vector<1x1x1x16xf32> to vector<16xf32>
        %parallel_loop3A_617 = vector.shape_cast %parallel_loop3A_609 : vector<16xf32> to vector<1x1x1x16xf32>
        tpu.vector_store %arg5[%parallel_loop3A_611, %parallel_loop3A_612, %parallel_loop3A_613, %parallel_loop3A_614], %parallel_loop3A_617 {add = true, strides = array<i32>} : memref<4x4x16x384xf32, #tpu.memory_space<vmem>>, vector<1x1x1x16xf32>,
        %parallel_loop3A_618 = arith.constant 1 : i32
        %parallel_loop3A_619 = arith.index_cast %rem3A_130 : i32 to index
        %parallel_loop3A_620 = arith.index_cast %parallel_loop3A_618 : i32 to index
        %parallel_loop3A_621 = arith.index_cast %parallel_loop3A_197 : i32 to index
        %parallel_loop3A_622 = arith.constant 176 : index
        %parallel_loop3A_623 = tpu.vector_load %arg5[%parallel_loop3A_619, %parallel_loop3A_620, %parallel_loop3A_621, %parallel_loop3A_622] {strides = array<i32>} : memref<4x4x16x384xf32, #tpu.memory_space<vmem>>, vector<1x1x1x16xf32>,
        %parallel_loop3A_624 = vector.shape_cast %parallel_loop3A_623 : vector<1x1x1x16xf32> to vector<16xf32>
        %parallel_loop3A_625 = vector.shape_cast %parallel_loop3A_609 : vector<16xf32> to vector<1x1x1x16xf32>
        tpu.vector_store %arg5[%parallel_loop3A_619, %parallel_loop3A_620, %parallel_loop3A_621, %parallel_loop3A_622], %parallel_loop3A_625 {add = true, strides = array<i32>} : memref<4x4x16x384xf32, #tpu.memory_space<vmem>>, vector<1x1x1x16xf32>,
        %parallel_loop3A_626 = arith.constant 2 : i32
        %parallel_loop3A_627 = arith.index_cast %rem3A_130 : i32 to index
        %parallel_loop3A_628 = arith.index_cast %parallel_loop3A_626 : i32 to index
        %parallel_loop3A_629 = arith.index_cast %parallel_loop3A_197 : i32 to index
        %parallel_loop3A_630 = arith.constant 176 : index
        %parallel_loop3A_631 = tpu.vector_load %arg5[%parallel_loop3A_627, %parallel_loop3A_628, %parallel_loop3A_629, %parallel_loop3A_630] {strides = array<i32>} : memref<4x4x16x384xf32, #tpu.memory_space<vmem>>, vector<1x1x1x16xf32>,
        %parallel_loop3A_632 = vector.shape_cast %parallel_loop3A_631 : vector<1x1x1x16xf32> to vector<16xf32>
        %parallel_loop3A_633 = vector.shape_cast %parallel_loop3A_609 : vector<16xf32> to vector<1x1x1x16xf32>
        tpu.vector_store %arg5[%parallel_loop3A_627, %parallel_loop3A_628, %parallel_loop3A_629, %parallel_loop3A_630], %parallel_loop3A_633 {add = true, strides = array<i32>} : memref<4x4x16x384xf32, #tpu.memory_space<vmem>>, vector<1x1x1x16xf32>,
        %parallel_loop3A_634 = arith.constant 3 : i32
        %parallel_loop3A_635 = arith.index_cast %rem3A_130 : i32 to index
        %parallel_loop3A_636 = arith.index_cast %parallel_loop3A_634 : i32 to index
        %parallel_loop3A_637 = arith.index_cast %parallel_loop3A_197 : i32 to index
        %parallel_loop3A_638 = arith.constant 176 : index
        %parallel_loop3A_639 = tpu.vector_load %arg5[%parallel_loop3A_635, %parallel_loop3A_636, %parallel_loop3A_637, %parallel_loop3A_638] {strides = array<i32>} : memref<4x4x16x384xf32, #tpu.memory_space<vmem>>, vector<1x1x1x16xf32>,
        %parallel_loop3A_640 = vector.shape_cast %parallel_loop3A_639 : vector<1x1x1x16xf32> to vector<16xf32>
        %parallel_loop3A_641 = vector.shape_cast %parallel_loop3A_609 : vector<16xf32> to vector<1x1x1x16xf32>
        tpu.vector_store %arg5[%parallel_loop3A_635, %parallel_loop3A_636, %parallel_loop3A_637, %parallel_loop3A_638], %parallel_loop3A_641 {add = true, strides = array<i32>} : memref<4x4x16x384xf32, #tpu.memory_space<vmem>>, vector<1x1x1x16xf32>,
        %parallel_loop3A_642 = arith.index_cast %rem3A_130 : i32 to index
        %parallel_loop3A_643 = arith.index_cast %parallel_loop3A_197 : i32 to index
        %parallel_loop3A_644 = arith.constant 192 : index
        %parallel_loop3A_645 = tpu.vector_load %arg6[%parallel_loop3A_642, %parallel_loop3A_643, %parallel_loop3A_644] {strides = array<i32>} : memref<4x16x384xf32, #tpu.memory_space<vmem>>, vector<1x1x16xf32>,
        %parallel_loop3A_646 = vector.shape_cast %parallel_loop3A_645 : vector<1x1x16xf32> to vector<16xf32>
        %parallel_loop3A_647 = arith.constant 0 : i32
        %parallel_loop3A_648 = arith.index_cast %rem3A_130 : i32 to index
        %parallel_loop3A_649 = arith.index_cast %parallel_loop3A_647 : i32 to index
        %parallel_loop3A_650 = arith.index_cast %parallel_loop3A_197 : i32 to index
        %parallel_loop3A_651 = arith.constant 192 : index
        %parallel_loop3A_652 = tpu.vector_load %arg5[%parallel_loop3A_648, %parallel_loop3A_649, %parallel_loop3A_650, %parallel_loop3A_651] {strides = array<i32>} : memref<4x4x16x384xf32, #tpu.memory_space<vmem>>, vector<1x1x1x16xf32>,
        %parallel_loop3A_653 = vector.shape_cast %parallel_loop3A_652 : vector<1x1x1x16xf32> to vector<16xf32>
        %parallel_loop3A_654 = vector.shape_cast %parallel_loop3A_646 : vector<16xf32> to vector<1x1x1x16xf32>
        tpu.vector_store %arg5[%parallel_loop3A_648, %parallel_loop3A_649, %parallel_loop3A_650, %parallel_loop3A_651], %parallel_loop3A_654 {add = true, strides = array<i32>} : memref<4x4x16x384xf32, #tpu.memory_space<vmem>>, vector<1x1x1x16xf32>,
        %parallel_loop3A_655 = arith.constant 1 : i32
        %parallel_loop3A_656 = arith.index_cast %rem3A_130 : i32 to index
        %parallel_loop3A_657 = arith.index_cast %parallel_loop3A_655 : i32 to index
        %parallel_loop3A_658 = arith.index_cast %parallel_loop3A_197 : i32 to index
        %parallel_loop3A_659 = arith.constant 192 : index
        %parallel_loop3A_660 = tpu.vector_load %arg5[%parallel_loop3A_656, %parallel_loop3A_657, %parallel_loop3A_658, %parallel_loop3A_659] {strides = array<i32>} : memref<4x4x16x384xf32, #tpu.memory_space<vmem>>, vector<1x1x1x16xf32>,
        %parallel_loop3A_661 = vector.shape_cast %parallel_loop3A_660 : vector<1x1x1x16xf32> to vector<16xf32>
        %parallel_loop3A_662 = vector.shape_cast %parallel_loop3A_646 : vector<16xf32> to vector<1x1x1x16xf32>
        tpu.vector_store %arg5[%parallel_loop3A_656, %parallel_loop3A_657, %parallel_loop3A_658, %parallel_loop3A_659], %parallel_loop3A_662 {add = true, strides = array<i32>} : memref<4x4x16x384xf32, #tpu.memory_space<vmem>>, vector<1x1x1x16xf32>,
        %parallel_loop3A_663 = arith.constant 2 : i32
        %parallel_loop3A_664 = arith.index_cast %rem3A_130 : i32 to index
        %parallel_loop3A_665 = arith.index_cast %parallel_loop3A_663 : i32 to index
        %parallel_loop3A_666 = arith.index_cast %parallel_loop3A_197 : i32 to index
        %parallel_loop3A_667 = arith.constant 192 : index
        %parallel_loop3A_668 = tpu.vector_load %arg5[%parallel_loop3A_664, %parallel_loop3A_665, %parallel_loop3A_666, %parallel_loop3A_667] {strides = array<i32>} : memref<4x4x16x384xf32, #tpu.memory_space<vmem>>, vector<1x1x1x16xf32>,
        %parallel_loop3A_669 = vector.shape_cast %parallel_loop3A_668 : vector<1x1x1x16xf32> to vector<16xf32>
        %parallel_loop3A_670 = vector.shape_cast %parallel_loop3A_646 : vector<16xf32> to vector<1x1x1x16xf32>
        tpu.vector_store %arg5[%parallel_loop3A_664, %parallel_loop3A_665, %parallel_loop3A_666, %parallel_loop3A_667], %parallel_loop3A_670 {add = true, strides = array<i32>} : memref<4x4x16x384xf32, #tpu.memory_space<vmem>>, vector<1x1x1x16xf32>,
        %parallel_loop3A_671 = arith.constant 3 : i32
        %parallel_loop3A_672 = arith.index_cast %rem3A_130 : i32 to index
        %parallel_loop3A_673 = arith.index_cast %parallel_loop3A_671 : i32 to index
        %parallel_loop3A_674 = arith.index_cast %parallel_loop3A_197 : i32 to index
        %parallel_loop3A_675 = arith.constant 192 : index
        %parallel_loop3A_676 = tpu.vector_load %arg5[%parallel_loop3A_672, %parallel_loop3A_673, %parallel_loop3A_674, %parallel_loop3A_675] {strides = array<i32>} : memref<4x4x16x384xf32, #tpu.memory_space<vmem>>, vector<1x1x1x16xf32>,
        %parallel_loop3A_677 = vector.shape_cast %parallel_loop3A_676 : vector<1x1x1x16xf32> to vector<16xf32>
        %parallel_loop3A_678 = vector.shape_cast %parallel_loop3A_646 : vector<16xf32> to vector<1x1x1x16xf32>
        tpu.vector_store %arg5[%parallel_loop3A_672, %parallel_loop3A_673, %parallel_loop3A_674, %parallel_loop3A_675], %parallel_loop3A_678 {add = true, strides = array<i32>} : memref<4x4x16x384xf32, #tpu.memory_space<vmem>>, vector<1x1x1x16xf32>,
        %parallel_loop3A_679 = arith.index_cast %rem3A_130 : i32 to index
        %parallel_loop3A_680 = arith.index_cast %parallel_loop3A_197 : i32 to index
        %parallel_loop3A_681 = arith.constant 208 : index
        %parallel_loop3A_682 = tpu.vector_load %arg6[%parallel_loop3A_679, %parallel_loop3A_680, %parallel_loop3A_681] {strides = array<i32>} : memref<4x16x384xf32, #tpu.memory_space<vmem>>, vector<1x1x16xf32>,
        %parallel_loop3A_683 = vector.shape_cast %parallel_loop3A_682 : vector<1x1x16xf32> to vector<16xf32>
        %parallel_loop3A_684 = arith.constant 0 : i32
        %parallel_loop3A_685 = arith.index_cast %rem3A_130 : i32 to index
        %parallel_loop3A_686 = arith.index_cast %parallel_loop3A_684 : i32 to index
        %parallel_loop3A_687 = arith.index_cast %parallel_loop3A_197 : i32 to index
        %parallel_loop3A_688 = arith.constant 208 : index
        %parallel_loop3A_689 = tpu.vector_load %arg5[%parallel_loop3A_685, %parallel_loop3A_686, %parallel_loop3A_687, %parallel_loop3A_688] {strides = array<i32>} : memref<4x4x16x384xf32, #tpu.memory_space<vmem>>, vector<1x1x1x16xf32>,
        %parallel_loop3A_690 = vector.shape_cast %parallel_loop3A_689 : vector<1x1x1x16xf32> to vector<16xf32>
        %parallel_loop3A_691 = vector.shape_cast %parallel_loop3A_683 : vector<16xf32> to vector<1x1x1x16xf32>
        tpu.vector_store %arg5[%parallel_loop3A_685, %parallel_loop3A_686, %parallel_loop3A_687, %parallel_loop3A_688], %parallel_loop3A_691 {add = true, strides = array<i32>} : memref<4x4x16x384xf32, #tpu.memory_space<vmem>>, vector<1x1x1x16xf32>,
        %parallel_loop3A_692 = arith.constant 1 : i32
        %parallel_loop3A_693 = arith.index_cast %rem3A_130 : i32 to index
        %parallel_loop3A_694 = arith.index_cast %parallel_loop3A_692 : i32 to index
        %parallel_loop3A_695 = arith.index_cast %parallel_loop3A_197 : i32 to index
        %parallel_loop3A_696 = arith.constant 208 : index
        %parallel_loop3A_697 = tpu.vector_load %arg5[%parallel_loop3A_693, %parallel_loop3A_694, %parallel_loop3A_695, %parallel_loop3A_696] {strides = array<i32>} : memref<4x4x16x384xf32, #tpu.memory_space<vmem>>, vector<1x1x1x16xf32>,
        %parallel_loop3A_698 = vector.shape_cast %parallel_loop3A_697 : vector<1x1x1x16xf32> to vector<16xf32>
        %parallel_loop3A_699 = vector.shape_cast %parallel_loop3A_683 : vector<16xf32> to vector<1x1x1x16xf32>
        tpu.vector_store %arg5[%parallel_loop3A_693, %parallel_loop3A_694, %parallel_loop3A_695, %parallel_loop3A_696], %parallel_loop3A_699 {add = true, strides = array<i32>} : memref<4x4x16x384xf32, #tpu.memory_space<vmem>>, vector<1x1x1x16xf32>,
        %parallel_loop3A_700 = arith.constant 2 : i32
        %parallel_loop3A_701 = arith.index_cast %rem3A_130 : i32 to index
        %parallel_loop3A_702 = arith.index_cast %parallel_loop3A_700 : i32 to index
        %parallel_loop3A_703 = arith.index_cast %parallel_loop3A_197 : i32 to index
        %parallel_loop3A_704 = arith.constant 208 : index
        %parallel_loop3A_705 = tpu.vector_load %arg5[%parallel_loop3A_701, %parallel_loop3A_702, %parallel_loop3A_703, %parallel_loop3A_704] {strides = array<i32>} : memref<4x4x16x384xf32, #tpu.memory_space<vmem>>, vector<1x1x1x16xf32>,
        %parallel_loop3A_706 = vector.shape_cast %parallel_loop3A_705 : vector<1x1x1x16xf32> to vector<16xf32>
        %parallel_loop3A_707 = vector.shape_cast %parallel_loop3A_683 : vector<16xf32> to vector<1x1x1x16xf32>
        tpu.vector_store %arg5[%parallel_loop3A_701, %parallel_loop3A_702, %parallel_loop3A_703, %parallel_loop3A_704], %parallel_loop3A_707 {add = true, strides = array<i32>} : memref<4x4x16x384xf32, #tpu.memory_space<vmem>>, vector<1x1x1x16xf32>,
        %parallel_loop3A_708 = arith.constant 3 : i32
        %parallel_loop3A_709 = arith.index_cast %rem3A_130 : i32 to index
        %parallel_loop3A_710 = arith.index_cast %parallel_loop3A_708 : i32 to index
        %parallel_loop3A_711 = arith.index_cast %parallel_loop3A_197 : i32 to index
        %parallel_loop3A_712 = arith.constant 208 : index
        %parallel_loop3A_713 = tpu.vector_load %arg5[%parallel_loop3A_709, %parallel_loop3A_710, %parallel_loop3A_711, %parallel_loop3A_712] {strides = array<i32>} : memref<4x4x16x384xf32, #tpu.memory_space<vmem>>, vector<1x1x1x16xf32>,
        %parallel_loop3A_714 = vector.shape_cast %parallel_loop3A_713 : vector<1x1x1x16xf32> to vector<16xf32>
        %parallel_loop3A_715 = vector.shape_cast %parallel_loop3A_683 : vector<16xf32> to vector<1x1x1x16xf32>
        tpu.vector_store %arg5[%parallel_loop3A_709, %parallel_loop3A_710, %parallel_loop3A_711, %parallel_loop3A_712], %parallel_loop3A_715 {add = true, strides = array<i32>} : memref<4x4x16x384xf32, #tpu.memory_space<vmem>>, vector<1x1x1x16xf32>,
        %parallel_loop3A_716 = arith.index_cast %rem3A_130 : i32 to index
        %parallel_loop3A_717 = arith.index_cast %parallel_loop3A_197 : i32 to index
        %parallel_loop3A_718 = arith.constant 224 : index
        %parallel_loop3A_719 = tpu.vector_load %arg6[%parallel_loop3A_716, %parallel_loop3A_717, %parallel_loop3A_718] {strides = array<i32>} : memref<4x16x384xf32, #tpu.memory_space<vmem>>, vector<1x1x16xf32>,
        %parallel_loop3A_720 = vector.shape_cast %parallel_loop3A_719 : vector<1x1x16xf32> to vector<16xf32>
        %parallel_loop3A_721 = arith.constant 0 : i32
        %parallel_loop3A_722 = arith.index_cast %rem3A_130 : i32 to index
        %parallel_loop3A_723 = arith.index_cast %parallel_loop3A_721 : i32 to index
        %parallel_loop3A_724 = arith.index_cast %parallel_loop3A_197 : i32 to index
        %parallel_loop3A_725 = arith.constant 224 : index
        %parallel_loop3A_726 = tpu.vector_load %arg5[%parallel_loop3A_722, %parallel_loop3A_723, %parallel_loop3A_724, %parallel_loop3A_725] {strides = array<i32>} : memref<4x4x16x384xf32, #tpu.memory_space<vmem>>, vector<1x1x1x16xf32>,
        %parallel_loop3A_727 = vector.shape_cast %parallel_loop3A_726 : vector<1x1x1x16xf32> to vector<16xf32>
        %parallel_loop3A_728 = vector.shape_cast %parallel_loop3A_720 : vector<16xf32> to vector<1x1x1x16xf32>
        tpu.vector_store %arg5[%parallel_loop3A_722, %parallel_loop3A_723, %parallel_loop3A_724, %parallel_loop3A_725], %parallel_loop3A_728 {add = true, strides = array<i32>} : memref<4x4x16x384xf32, #tpu.memory_space<vmem>>, vector<1x1x1x16xf32>,
        %parallel_loop3A_729 = arith.constant 1 : i32
        %parallel_loop3A_730 = arith.index_cast %rem3A_130 : i32 to index
        %parallel_loop3A_731 = arith.index_cast %parallel_loop3A_729 : i32 to index
        %parallel_loop3A_732 = arith.index_cast %parallel_loop3A_197 : i32 to index
        %parallel_loop3A_733 = arith.constant 224 : index
        %parallel_loop3A_734 = tpu.vector_load %arg5[%parallel_loop3A_730, %parallel_loop3A_731, %parallel_loop3A_732, %parallel_loop3A_733] {strides = array<i32>} : memref<4x4x16x384xf32, #tpu.memory_space<vmem>>, vector<1x1x1x16xf32>,
        %parallel_loop3A_735 = vector.shape_cast %parallel_loop3A_734 : vector<1x1x1x16xf32> to vector<16xf32>
        %parallel_loop3A_736 = vector.shape_cast %parallel_loop3A_720 : vector<16xf32> to vector<1x1x1x16xf32>
        tpu.vector_store %arg5[%parallel_loop3A_730, %parallel_loop3A_731, %parallel_loop3A_732, %parallel_loop3A_733], %parallel_loop3A_736 {add = true, strides = array<i32>} : memref<4x4x16x384xf32, #tpu.memory_space<vmem>>, vector<1x1x1x16xf32>,
        %parallel_loop3A_737 = arith.constant 2 : i32
        %parallel_loop3A_738 = arith.index_cast %rem3A_130 : i32 to index
        %parallel_loop3A_739 = arith.index_cast %parallel_loop3A_737 : i32 to index
        %parallel_loop3A_740 = arith.index_cast %parallel_loop3A_197 : i32 to index
        %parallel_loop3A_741 = arith.constant 224 : index
        %parallel_loop3A_742 = tpu.vector_load %arg5[%parallel_loop3A_738, %parallel_loop3A_739, %parallel_loop3A_740, %parallel_loop3A_741] {strides = array<i32>} : memref<4x4x16x384xf32, #tpu.memory_space<vmem>>, vector<1x1x1x16xf32>,
        %parallel_loop3A_743 = vector.shape_cast %parallel_loop3A_742 : vector<1x1x1x16xf32> to vector<16xf32>
        %parallel_loop3A_744 = vector.shape_cast %parallel_loop3A_720 : vector<16xf32> to vector<1x1x1x16xf32>
        tpu.vector_store %arg5[%parallel_loop3A_738, %parallel_loop3A_739, %parallel_loop3A_740, %parallel_loop3A_741], %parallel_loop3A_744 {add = true, strides = array<i32>} : memref<4x4x16x384xf32, #tpu.memory_space<vmem>>, vector<1x1x1x16xf32>,
        %parallel_loop3A_745 = arith.constant 3 : i32
        %parallel_loop3A_746 = arith.index_cast %rem3A_130 : i32 to index
        %parallel_loop3A_747 = arith.index_cast %parallel_loop3A_745 : i32 to index
        %parallel_loop3A_748 = arith.index_cast %parallel_loop3A_197 : i32 to index
        %parallel_loop3A_749 = arith.constant 224 : index
        %parallel_loop3A_750 = tpu.vector_load %arg5[%parallel_loop3A_746, %parallel_loop3A_747, %parallel_loop3A_748, %parallel_loop3A_749] {strides = array<i32>} : memref<4x4x16x384xf32, #tpu.memory_space<vmem>>, vector<1x1x1x16xf32>,
        %parallel_loop3A_751 = vector.shape_cast %parallel_loop3A_750 : vector<1x1x1x16xf32> to vector<16xf32>
        %parallel_loop3A_752 = vector.shape_cast %parallel_loop3A_720 : vector<16xf32> to vector<1x1x1x16xf32>
        tpu.vector_store %arg5[%parallel_loop3A_746, %parallel_loop3A_747, %parallel_loop3A_748, %parallel_loop3A_749], %parallel_loop3A_752 {add = true, strides = array<i32>} : memref<4x4x16x384xf32, #tpu.memory_space<vmem>>, vector<1x1x1x16xf32>,
        %parallel_loop3A_753 = arith.index_cast %rem3A_130 : i32 to index
        %parallel_loop3A_754 = arith.index_cast %parallel_loop3A_197 : i32 to index
        %parallel_loop3A_755 = arith.constant 240 : index
        %parallel_loop3A_756 = tpu.vector_load %arg6[%parallel_loop3A_753, %parallel_loop3A_754, %parallel_loop3A_755] {strides = array<i32>} : memref<4x16x384xf32, #tpu.memory_space<vmem>>, vector<1x1x16xf32>,
        %parallel_loop3A_757 = vector.shape_cast %parallel_loop3A_756 : vector<1x1x16xf32> to vector<16xf32>
        %parallel_loop3A_758 = arith.constant 0 : i32
        %parallel_loop3A_759 = arith.index_cast %rem3A_130 : i32 to index
        %parallel_loop3A_760 = arith.index_cast %parallel_loop3A_758 : i32 to index
        %parallel_loop3A_761 = arith.index_cast %parallel_loop3A_197 : i32 to index
        %parallel_loop3A_762 = arith.constant 240 : index
        %parallel_loop3A_763 = tpu.vector_load %arg5[%parallel_loop3A_759, %parallel_loop3A_760, %parallel_loop3A_761, %parallel_loop3A_762] {strides = array<i32>} : memref<4x4x16x384xf32, #tpu.memory_space<vmem>>, vector<1x1x1x16xf32>,
        %parallel_loop3A_764 = vector.shape_cast %parallel_loop3A_763 : vector<1x1x1x16xf32> to vector<16xf32>
        %parallel_loop3A_765 = vector.shape_cast %parallel_loop3A_757 : vector<16xf32> to vector<1x1x1x16xf32>
        tpu.vector_store %arg5[%parallel_loop3A_759, %parallel_loop3A_760, %parallel_loop3A_761, %parallel_loop3A_762], %parallel_loop3A_765 {add = true, strides = array<i32>} : memref<4x4x16x384xf32, #tpu.memory_space<vmem>>, vector<1x1x1x16xf32>,
        %parallel_loop3A_766 = arith.constant 1 : i32
        %parallel_loop3A_767 = arith.index_cast %rem3A_130 : i32 to index
        %parallel_loop3A_768 = arith.index_cast %parallel_loop3A_766 : i32 to index
        %parallel_loop3A_769 = arith.index_cast %parallel_loop3A_197 : i32 to index
        %parallel_loop3A_770 = arith.constant 240 : index
        %parallel_loop3A_771 = tpu.vector_load %arg5[%parallel_loop3A_767, %parallel_loop3A_768, %parallel_loop3A_769, %parallel_loop3A_770] {strides = array<i32>} : memref<4x4x16x384xf32, #tpu.memory_space<vmem>>, vector<1x1x1x16xf32>,
        %parallel_loop3A_772 = vector.shape_cast %parallel_loop3A_771 : vector<1x1x1x16xf32> to vector<16xf32>
        %parallel_loop3A_773 = vector.shape_cast %parallel_loop3A_757 : vector<16xf32> to vector<1x1x1x16xf32>
        tpu.vector_store %arg5[%parallel_loop3A_767, %parallel_loop3A_768, %parallel_loop3A_769, %parallel_loop3A_770], %parallel_loop3A_773 {add = true, strides = array<i32>} : memref<4x4x16x384xf32, #tpu.memory_space<vmem>>, vector<1x1x1x16xf32>,
        %parallel_loop3A_774 = arith.constant 2 : i32
        %parallel_loop3A_775 = arith.index_cast %rem3A_130 : i32 to index
        %parallel_loop3A_776 = arith.index_cast %parallel_loop3A_774 : i32 to index
        %parallel_loop3A_777 = arith.index_cast %parallel_loop3A_197 : i32 to index
        %parallel_loop3A_778 = arith.constant 240 : index
        %parallel_loop3A_779 = tpu.vector_load %arg5[%parallel_loop3A_775, %parallel_loop3A_776, %parallel_loop3A_777, %parallel_loop3A_778] {strides = array<i32>} : memref<4x4x16x384xf32, #tpu.memory_space<vmem>>, vector<1x1x1x16xf32>,
        %parallel_loop3A_780 = vector.shape_cast %parallel_loop3A_779 : vector<1x1x1x16xf32> to vector<16xf32>
        %parallel_loop3A_781 = vector.shape_cast %parallel_loop3A_757 : vector<16xf32> to vector<1x1x1x16xf32>
        tpu.vector_store %arg5[%parallel_loop3A_775, %parallel_loop3A_776, %parallel_loop3A_777, %parallel_loop3A_778], %parallel_loop3A_781 {add = true, strides = array<i32>} : memref<4x4x16x384xf32, #tpu.memory_space<vmem>>, vector<1x1x1x16xf32>,
        %parallel_loop3A_782 = arith.constant 3 : i32
        %parallel_loop3A_783 = arith.index_cast %rem3A_130 : i32 to index
        %parallel_loop3A_784 = arith.index_cast %parallel_loop3A_782 : i32 to index
        %parallel_loop3A_785 = arith.index_cast %parallel_loop3A_197 : i32 to index
        %parallel_loop3A_786 = arith.constant 240 : index
        %parallel_loop3A_787 = tpu.vector_load %arg5[%parallel_loop3A_783, %parallel_loop3A_784, %parallel_loop3A_785, %parallel_loop3A_786] {strides = array<i32>} : memref<4x4x16x384xf32, #tpu.memory_space<vmem>>, vector<1x1x1x16xf32>,
        %parallel_loop3A_788 = vector.shape_cast %parallel_loop3A_787 : vector<1x1x1x16xf32> to vector<16xf32>
        %parallel_loop3A_789 = vector.shape_cast %parallel_loop3A_757 : vector<16xf32> to vector<1x1x1x16xf32>
        tpu.vector_store %arg5[%parallel_loop3A_783, %parallel_loop3A_784, %parallel_loop3A_785, %parallel_loop3A_786], %parallel_loop3A_789 {add = true, strides = array<i32>} : memref<4x4x16x384xf32, #tpu.memory_space<vmem>>, vector<1x1x1x16xf32>,
        %parallel_loop3A_790 = arith.index_cast %rem3A_130 : i32 to index
        %parallel_loop3A_791 = arith.index_cast %parallel_loop3A_197 : i32 to index
        %parallel_loop3A_792 = arith.constant 256 : index
        %parallel_loop3A_793 = tpu.vector_load %arg6[%parallel_loop3A_790, %parallel_loop3A_791, %parallel_loop3A_792] {strides = array<i32>} : memref<4x16x384xf32, #tpu.memory_space<vmem>>, vector<1x1x16xf32>,
        %parallel_loop3A_794 = vector.shape_cast %parallel_loop3A_793 : vector<1x1x16xf32> to vector<16xf32>
        %parallel_loop3A_795 = arith.constant 0 : i32
        %parallel_loop3A_796 = arith.index_cast %rem3A_130 : i32 to index
        %parallel_loop3A_797 = arith.index_cast %parallel_loop3A_795 : i32 to index
        %parallel_loop3A_798 = arith.index_cast %parallel_loop3A_197 : i32 to index
        %parallel_loop3A_799 = arith.constant 256 : index
        %parallel_loop3A_800 = tpu.vector_load %arg5[%parallel_loop3A_796, %parallel_loop3A_797, %parallel_loop3A_798, %parallel_loop3A_799] {strides = array<i32>} : memref<4x4x16x384xf32, #tpu.memory_space<vmem>>, vector<1x1x1x16xf32>,
        %parallel_loop3A_801 = vector.shape_cast %parallel_loop3A_800 : vector<1x1x1x16xf32> to vector<16xf32>
        %parallel_loop3A_802 = vector.shape_cast %parallel_loop3A_794 : vector<16xf32> to vector<1x1x1x16xf32>
        tpu.vector_store %arg5[%parallel_loop3A_796, %parallel_loop3A_797, %parallel_loop3A_798, %parallel_loop3A_799], %parallel_loop3A_802 {add = true, strides = array<i32>} : memref<4x4x16x384xf32, #tpu.memory_space<vmem>>, vector<1x1x1x16xf32>,
        %parallel_loop3A_803 = arith.constant 1 : i32
        %parallel_loop3A_804 = arith.index_cast %rem3A_130 : i32 to index
        %parallel_loop3A_805 = arith.index_cast %parallel_loop3A_803 : i32 to index
        %parallel_loop3A_806 = arith.index_cast %parallel_loop3A_197 : i32 to index
        %parallel_loop3A_807 = arith.constant 256 : index
        %parallel_loop3A_808 = tpu.vector_load %arg5[%parallel_loop3A_804, %parallel_loop3A_805, %parallel_loop3A_806, %parallel_loop3A_807] {strides = array<i32>} : memref<4x4x16x384xf32, #tpu.memory_space<vmem>>, vector<1x1x1x16xf32>,
        %parallel_loop3A_809 = vector.shape_cast %parallel_loop3A_808 : vector<1x1x1x16xf32> to vector<16xf32>
        %parallel_loop3A_810 = vector.shape_cast %parallel_loop3A_794 : vector<16xf32> to vector<1x1x1x16xf32>
        tpu.vector_store %arg5[%parallel_loop3A_804, %parallel_loop3A_805, %parallel_loop3A_806, %parallel_loop3A_807], %parallel_loop3A_810 {add = true, strides = array<i32>} : memref<4x4x16x384xf32, #tpu.memory_space<vmem>>, vector<1x1x1x16xf32>,
        %parallel_loop3A_811 = arith.constant 2 : i32
        %parallel_loop3A_812 = arith.index_cast %rem3A_130 : i32 to index
        %parallel_loop3A_813 = arith.index_cast %parallel_loop3A_811 : i32 to index
        %parallel_loop3A_814 = arith.index_cast %parallel_loop3A_197 : i32 to index
        %parallel_loop3A_815 = arith.constant 256 : index
        %parallel_loop3A_816 = tpu.vector_load %arg5[%parallel_loop3A_812, %parallel_loop3A_813, %parallel_loop3A_814, %parallel_loop3A_815] {strides = array<i32>} : memref<4x4x16x384xf32, #tpu.memory_space<vmem>>, vector<1x1x1x16xf32>,
        %parallel_loop3A_817 = vector.shape_cast %parallel_loop3A_816 : vector<1x1x1x16xf32> to vector<16xf32>
        %parallel_loop3A_818 = vector.shape_cast %parallel_loop3A_794 : vector<16xf32> to vector<1x1x1x16xf32>
        tpu.vector_store %arg5[%parallel_loop3A_812, %parallel_loop3A_813, %parallel_loop3A_814, %parallel_loop3A_815], %parallel_loop3A_818 {add = true, strides = array<i32>} : memref<4x4x16x384xf32, #tpu.memory_space<vmem>>, vector<1x1x1x16xf32>,
        %parallel_loop3A_819 = arith.constant 3 : i32
        %parallel_loop3A_820 = arith.index_cast %rem3A_130 : i32 to index
        %parallel_loop3A_821 = arith.index_cast %parallel_loop3A_819 : i32 to index
        %parallel_loop3A_822 = arith.index_cast %parallel_loop3A_197 : i32 to index
        %parallel_loop3A_823 = arith.constant 256 : index
        %parallel_loop3A_824 = tpu.vector_load %arg5[%parallel_loop3A_820, %parallel_loop3A_821, %parallel_loop3A_822, %parallel_loop3A_823] {strides = array<i32>} : memref<4x4x16x384xf32, #tpu.memory_space<vmem>>, vector<1x1x1x16xf32>,
        %parallel_loop3A_825 = vector.shape_cast %parallel_loop3A_824 : vector<1x1x1x16xf32> to vector<16xf32>
        %parallel_loop3A_826 = vector.shape_cast %parallel_loop3A_794 : vector<16xf32> to vector<1x1x1x16xf32>
        tpu.vector_store %arg5[%parallel_loop3A_820, %parallel_loop3A_821, %parallel_loop3A_822, %parallel_loop3A_823], %parallel_loop3A_826 {add = true, strides = array<i32>} : memref<4x4x16x384xf32, #tpu.memory_space<vmem>>, vector<1x1x1x16xf32>,
        %parallel_loop3A_827 = arith.index_cast %rem3A_130 : i32 to index
        %parallel_loop3A_828 = arith.index_cast %parallel_loop3A_197 : i32 to index
        %parallel_loop3A_829 = arith.constant 272 : index
        %parallel_loop3A_830 = tpu.vector_load %arg6[%parallel_loop3A_827, %parallel_loop3A_828, %parallel_loop3A_829] {strides = array<i32>} : memref<4x16x384xf32, #tpu.memory_space<vmem>>, vector<1x1x16xf32>,
        %parallel_loop3A_831 = vector.shape_cast %parallel_loop3A_830 : vector<1x1x16xf32> to vector<16xf32>
        %parallel_loop3A_832 = arith.constant 0 : i32
        %parallel_loop3A_833 = arith.index_cast %rem3A_130 : i32 to index
        %parallel_loop3A_834 = arith.index_cast %parallel_loop3A_832 : i32 to index
        %parallel_loop3A_835 = arith.index_cast %parallel_loop3A_197 : i32 to index
        %parallel_loop3A_836 = arith.constant 272 : index
        %parallel_loop3A_837 = tpu.vector_load %arg5[%parallel_loop3A_833, %parallel_loop3A_834, %parallel_loop3A_835, %parallel_loop3A_836] {strides = array<i32>} : memref<4x4x16x384xf32, #tpu.memory_space<vmem>>, vector<1x1x1x16xf32>,
        %parallel_loop3A_838 = vector.shape_cast %parallel_loop3A_837 : vector<1x1x1x16xf32> to vector<16xf32>
        %parallel_loop3A_839 = vector.shape_cast %parallel_loop3A_831 : vector<16xf32> to vector<1x1x1x16xf32>
        tpu.vector_store %arg5[%parallel_loop3A_833, %parallel_loop3A_834, %parallel_loop3A_835, %parallel_loop3A_836], %parallel_loop3A_839 {add = true, strides = array<i32>} : memref<4x4x16x384xf32, #tpu.memory_space<vmem>>, vector<1x1x1x16xf32>,
        %parallel_loop3A_840 = arith.constant 1 : i32
        %parallel_loop3A_841 = arith.index_cast %rem3A_130 : i32 to index
        %parallel_loop3A_842 = arith.index_cast %parallel_loop3A_840 : i32 to index
        %parallel_loop3A_843 = arith.index_cast %parallel_loop3A_197 : i32 to index
        %parallel_loop3A_844 = arith.constant 272 : index
        %parallel_loop3A_845 = tpu.vector_load %arg5[%parallel_loop3A_841, %parallel_loop3A_842, %parallel_loop3A_843, %parallel_loop3A_844] {strides = array<i32>} : memref<4x4x16x384xf32, #tpu.memory_space<vmem>>, vector<1x1x1x16xf32>,
        %parallel_loop3A_846 = vector.shape_cast %parallel_loop3A_845 : vector<1x1x1x16xf32> to vector<16xf32>
        %parallel_loop3A_847 = vector.shape_cast %parallel_loop3A_831 : vector<16xf32> to vector<1x1x1x16xf32>
        tpu.vector_store %arg5[%parallel_loop3A_841, %parallel_loop3A_842, %parallel_loop3A_843, %parallel_loop3A_844], %parallel_loop3A_847 {add = true, strides = array<i32>} : memref<4x4x16x384xf32, #tpu.memory_space<vmem>>, vector<1x1x1x16xf32>,
        %parallel_loop3A_848 = arith.constant 2 : i32
        %parallel_loop3A_849 = arith.index_cast %rem3A_130 : i32 to index
        %parallel_loop3A_850 = arith.index_cast %parallel_loop3A_848 : i32 to index
        %parallel_loop3A_851 = arith.index_cast %parallel_loop3A_197 : i32 to index
        %parallel_loop3A_852 = arith.constant 272 : index
        %parallel_loop3A_853 = tpu.vector_load %arg5[%parallel_loop3A_849, %parallel_loop3A_850, %parallel_loop3A_851, %parallel_loop3A_852] {strides = array<i32>} : memref<4x4x16x384xf32, #tpu.memory_space<vmem>>, vector<1x1x1x16xf32>,
        %parallel_loop3A_854 = vector.shape_cast %parallel_loop3A_853 : vector<1x1x1x16xf32> to vector<16xf32>
        %parallel_loop3A_855 = vector.shape_cast %parallel_loop3A_831 : vector<16xf32> to vector<1x1x1x16xf32>
        tpu.vector_store %arg5[%parallel_loop3A_849, %parallel_loop3A_850, %parallel_loop3A_851, %parallel_loop3A_852], %parallel_loop3A_855 {add = true, strides = array<i32>} : memref<4x4x16x384xf32, #tpu.memory_space<vmem>>, vector<1x1x1x16xf32>,
        %parallel_loop3A_856 = arith.constant 3 : i32
        %parallel_loop3A_857 = arith.index_cast %rem3A_130 : i32 to index
        %parallel_loop3A_858 = arith.index_cast %parallel_loop3A_856 : i32 to index
        %parallel_loop3A_859 = arith.index_cast %parallel_loop3A_197 : i32 to index
        %parallel_loop3A_860 = arith.constant 272 : index
        %parallel_loop3A_861 = tpu.vector_load %arg5[%parallel_loop3A_857, %parallel_loop3A_858, %parallel_loop3A_859, %parallel_loop3A_860] {strides = array<i32>} : memref<4x4x16x384xf32, #tpu.memory_space<vmem>>, vector<1x1x1x16xf32>,
        %parallel_loop3A_862 = vector.shape_cast %parallel_loop3A_861 : vector<1x1x1x16xf32> to vector<16xf32>
        %parallel_loop3A_863 = vector.shape_cast %parallel_loop3A_831 : vector<16xf32> to vector<1x1x1x16xf32>
        tpu.vector_store %arg5[%parallel_loop3A_857, %parallel_loop3A_858, %parallel_loop3A_859, %parallel_loop3A_860], %parallel_loop3A_863 {add = true, strides = array<i32>} : memref<4x4x16x384xf32, #tpu.memory_space<vmem>>, vector<1x1x1x16xf32>,
        %parallel_loop3A_864 = arith.index_cast %rem3A_130 : i32 to index
        %parallel_loop3A_865 = arith.index_cast %parallel_loop3A_197 : i32 to index
        %parallel_loop3A_866 = arith.constant 288 : index
        %parallel_loop3A_867 = tpu.vector_load %arg6[%parallel_loop3A_864, %parallel_loop3A_865, %parallel_loop3A_866] {strides = array<i32>} : memref<4x16x384xf32, #tpu.memory_space<vmem>>, vector<1x1x16xf32>,
        %parallel_loop3A_868 = vector.shape_cast %parallel_loop3A_867 : vector<1x1x16xf32> to vector<16xf32>
        %parallel_loop3A_869 = arith.constant 0 : i32
        %parallel_loop3A_870 = arith.index_cast %rem3A_130 : i32 to index
        %parallel_loop3A_871 = arith.index_cast %parallel_loop3A_869 : i32 to index
        %parallel_loop3A_872 = arith.index_cast %parallel_loop3A_197 : i32 to index
        %parallel_loop3A_873 = arith.constant 288 : index
        %parallel_loop3A_874 = tpu.vector_load %arg5[%parallel_loop3A_870, %parallel_loop3A_871, %parallel_loop3A_872, %parallel_loop3A_873] {strides = array<i32>} : memref<4x4x16x384xf32, #tpu.memory_space<vmem>>, vector<1x1x1x16xf32>,
        %parallel_loop3A_875 = vector.shape_cast %parallel_loop3A_874 : vector<1x1x1x16xf32> to vector<16xf32>
        %parallel_loop3A_876 = vector.shape_cast %parallel_loop3A_868 : vector<16xf32> to vector<1x1x1x16xf32>
        tpu.vector_store %arg5[%parallel_loop3A_870, %parallel_loop3A_871, %parallel_loop3A_872, %parallel_loop3A_873], %parallel_loop3A_876 {add = true, strides = array<i32>} : memref<4x4x16x384xf32, #tpu.memory_space<vmem>>, vector<1x1x1x16xf32>,
        %parallel_loop3A_877 = arith.constant 1 : i32
        %parallel_loop3A_878 = arith.index_cast %rem3A_130 : i32 to index
        %parallel_loop3A_879 = arith.index_cast %parallel_loop3A_877 : i32 to index
        %parallel_loop3A_880 = arith.index_cast %parallel_loop3A_197 : i32 to index
        %parallel_loop3A_881 = arith.constant 288 : index
        %parallel_loop3A_882 = tpu.vector_load %arg5[%parallel_loop3A_878, %parallel_loop3A_879, %parallel_loop3A_880, %parallel_loop3A_881] {strides = array<i32>} : memref<4x4x16x384xf32, #tpu.memory_space<vmem>>, vector<1x1x1x16xf32>,
        %parallel_loop3A_883 = vector.shape_cast %parallel_loop3A_882 : vector<1x1x1x16xf32> to vector<16xf32>
        %parallel_loop3A_884 = vector.shape_cast %parallel_loop3A_868 : vector<16xf32> to vector<1x1x1x16xf32>
        tpu.vector_store %arg5[%parallel_loop3A_878, %parallel_loop3A_879, %parallel_loop3A_880, %parallel_loop3A_881], %parallel_loop3A_884 {add = true, strides = array<i32>} : memref<4x4x16x384xf32, #tpu.memory_space<vmem>>, vector<1x1x1x16xf32>,
        %parallel_loop3A_885 = arith.constant 2 : i32
        %parallel_loop3A_886 = arith.index_cast %rem3A_130 : i32 to index
        %parallel_loop3A_887 = arith.index_cast %parallel_loop3A_885 : i32 to index
        %parallel_loop3A_888 = arith.index_cast %parallel_loop3A_197 : i32 to index
        %parallel_loop3A_889 = arith.constant 288 : index
        %parallel_loop3A_890 = tpu.vector_load %arg5[%parallel_loop3A_886, %parallel_loop3A_887, %parallel_loop3A_888, %parallel_loop3A_889] {strides = array<i32>} : memref<4x4x16x384xf32, #tpu.memory_space<vmem>>, vector<1x1x1x16xf32>,
        %parallel_loop3A_891 = vector.shape_cast %parallel_loop3A_890 : vector<1x1x1x16xf32> to vector<16xf32>
        %parallel_loop3A_892 = vector.shape_cast %parallel_loop3A_868 : vector<16xf32> to vector<1x1x1x16xf32>
        tpu.vector_store %arg5[%parallel_loop3A_886, %parallel_loop3A_887, %parallel_loop3A_888, %parallel_loop3A_889], %parallel_loop3A_892 {add = true, strides = array<i32>} : memref<4x4x16x384xf32, #tpu.memory_space<vmem>>, vector<1x1x1x16xf32>,
        %parallel_loop3A_893 = arith.constant 3 : i32
        %parallel_loop3A_894 = arith.index_cast %rem3A_130 : i32 to index
        %parallel_loop3A_895 = arith.index_cast %parallel_loop3A_893 : i32 to index
        %parallel_loop3A_896 = arith.index_cast %parallel_loop3A_197 : i32 to index
        %parallel_loop3A_897 = arith.constant 288 : index
        %parallel_loop3A_898 = tpu.vector_load %arg5[%parallel_loop3A_894, %parallel_loop3A_895, %parallel_loop3A_896, %parallel_loop3A_897] {strides = array<i32>} : memref<4x4x16x384xf32, #tpu.memory_space<vmem>>, vector<1x1x1x16xf32>,
        %parallel_loop3A_899 = vector.shape_cast %parallel_loop3A_898 : vector<1x1x1x16xf32> to vector<16xf32>
        %parallel_loop3A_900 = vector.shape_cast %parallel_loop3A_868 : vector<16xf32> to vector<1x1x1x16xf32>
        tpu.vector_store %arg5[%parallel_loop3A_894, %parallel_loop3A_895, %parallel_loop3A_896, %parallel_loop3A_897], %parallel_loop3A_900 {add = true, strides = array<i32>} : memref<4x4x16x384xf32, #tpu.memory_space<vmem>>, vector<1x1x1x16xf32>,
        %parallel_loop3A_901 = arith.index_cast %rem3A_130 : i32 to index
        %parallel_loop3A_902 = arith.index_cast %parallel_loop3A_197 : i32 to index
        %parallel_loop3A_903 = arith.constant 304 : index
        %parallel_loop3A_904 = tpu.vector_load %arg6[%parallel_loop3A_901, %parallel_loop3A_902, %parallel_loop3A_903] {strides = array<i32>} : memref<4x16x384xf32, #tpu.memory_space<vmem>>, vector<1x1x16xf32>,
        %parallel_loop3A_905 = vector.shape_cast %parallel_loop3A_904 : vector<1x1x16xf32> to vector<16xf32>
        %parallel_loop3A_906 = arith.constant 0 : i32
        %parallel_loop3A_907 = arith.index_cast %rem3A_130 : i32 to index
        %parallel_loop3A_908 = arith.index_cast %parallel_loop3A_906 : i32 to index
        %parallel_loop3A_909 = arith.index_cast %parallel_loop3A_197 : i32 to index
        %parallel_loop3A_910 = arith.constant 304 : index
        %parallel_loop3A_911 = tpu.vector_load %arg5[%parallel_loop3A_907, %parallel_loop3A_908, %parallel_loop3A_909, %parallel_loop3A_910] {strides = array<i32>} : memref<4x4x16x384xf32, #tpu.memory_space<vmem>>, vector<1x1x1x16xf32>,
        %parallel_loop3A_912 = vector.shape_cast %parallel_loop3A_911 : vector<1x1x1x16xf32> to vector<16xf32>
        %parallel_loop3A_913 = vector.shape_cast %parallel_loop3A_905 : vector<16xf32> to vector<1x1x1x16xf32>
        tpu.vector_store %arg5[%parallel_loop3A_907, %parallel_loop3A_908, %parallel_loop3A_909, %parallel_loop3A_910], %parallel_loop3A_913 {add = true, strides = array<i32>} : memref<4x4x16x384xf32, #tpu.memory_space<vmem>>, vector<1x1x1x16xf32>,
        %parallel_loop3A_914 = arith.constant 1 : i32
        %parallel_loop3A_915 = arith.index_cast %rem3A_130 : i32 to index
        %parallel_loop3A_916 = arith.index_cast %parallel_loop3A_914 : i32 to index
        %parallel_loop3A_917 = arith.index_cast %parallel_loop3A_197 : i32 to index
        %parallel_loop3A_918 = arith.constant 304 : index
        %parallel_loop3A_919 = tpu.vector_load %arg5[%parallel_loop3A_915, %parallel_loop3A_916, %parallel_loop3A_917, %parallel_loop3A_918] {strides = array<i32>} : memref<4x4x16x384xf32, #tpu.memory_space<vmem>>, vector<1x1x1x16xf32>,
        %parallel_loop3A_920 = vector.shape_cast %parallel_loop3A_919 : vector<1x1x1x16xf32> to vector<16xf32>
        %parallel_loop3A_921 = vector.shape_cast %parallel_loop3A_905 : vector<16xf32> to vector<1x1x1x16xf32>
        tpu.vector_store %arg5[%parallel_loop3A_915, %parallel_loop3A_916, %parallel_loop3A_917, %parallel_loop3A_918], %parallel_loop3A_921 {add = true, strides = array<i32>} : memref<4x4x16x384xf32, #tpu.memory_space<vmem>>, vector<1x1x1x16xf32>,
        %parallel_loop3A_922 = arith.constant 2 : i32
        %parallel_loop3A_923 = arith.index_cast %rem3A_130 : i32 to index
        %parallel_loop3A_924 = arith.index_cast %parallel_loop3A_922 : i32 to index
        %parallel_loop3A_925 = arith.index_cast %parallel_loop3A_197 : i32 to index
        %parallel_loop3A_926 = arith.constant 304 : index
        %parallel_loop3A_927 = tpu.vector_load %arg5[%parallel_loop3A_923, %parallel_loop3A_924, %parallel_loop3A_925, %parallel_loop3A_926] {strides = array<i32>} : memref<4x4x16x384xf32, #tpu.memory_space<vmem>>, vector<1x1x1x16xf32>,
        %parallel_loop3A_928 = vector.shape_cast %parallel_loop3A_927 : vector<1x1x1x16xf32> to vector<16xf32>
        %parallel_loop3A_929 = vector.shape_cast %parallel_loop3A_905 : vector<16xf32> to vector<1x1x1x16xf32>
        tpu.vector_store %arg5[%parallel_loop3A_923, %parallel_loop3A_924, %parallel_loop3A_925, %parallel_loop3A_926], %parallel_loop3A_929 {add = true, strides = array<i32>} : memref<4x4x16x384xf32, #tpu.memory_space<vmem>>, vector<1x1x1x16xf32>,
        %parallel_loop3A_930 = arith.constant 3 : i32
        %parallel_loop3A_931 = arith.index_cast %rem3A_130 : i32 to index
        %parallel_loop3A_932 = arith.index_cast %parallel_loop3A_930 : i32 to index
        %parallel_loop3A_933 = arith.index_cast %parallel_loop3A_197 : i32 to index
        %parallel_loop3A_934 = arith.constant 304 : index
        %parallel_loop3A_935 = tpu.vector_load %arg5[%parallel_loop3A_931, %parallel_loop3A_932, %parallel_loop3A_933, %parallel_loop3A_934] {strides = array<i32>} : memref<4x4x16x384xf32, #tpu.memory_space<vmem>>, vector<1x1x1x16xf32>,
        %parallel_loop3A_936 = vector.shape_cast %parallel_loop3A_935 : vector<1x1x1x16xf32> to vector<16xf32>
        %parallel_loop3A_937 = vector.shape_cast %parallel_loop3A_905 : vector<16xf32> to vector<1x1x1x16xf32>
        tpu.vector_store %arg5[%parallel_loop3A_931, %parallel_loop3A_932, %parallel_loop3A_933, %parallel_loop3A_934], %parallel_loop3A_937 {add = true, strides = array<i32>} : memref<4x4x16x384xf32, #tpu.memory_space<vmem>>, vector<1x1x1x16xf32>,
        %parallel_loop3A_938 = arith.index_cast %rem3A_130 : i32 to index
        %parallel_loop3A_939 = arith.index_cast %parallel_loop3A_197 : i32 to index
        %parallel_loop3A_940 = arith.constant 320 : index
        %parallel_loop3A_941 = tpu.vector_load %arg6[%parallel_loop3A_938, %parallel_loop3A_939, %parallel_loop3A_940] {strides = array<i32>} : memref<4x16x384xf32, #tpu.memory_space<vmem>>, vector<1x1x16xf32>,
        %parallel_loop3A_942 = vector.shape_cast %parallel_loop3A_941 : vector<1x1x16xf32> to vector<16xf32>
        %parallel_loop3A_943 = arith.constant 0 : i32
        %parallel_loop3A_944 = arith.index_cast %rem3A_130 : i32 to index
        %parallel_loop3A_945 = arith.index_cast %parallel_loop3A_943 : i32 to index
        %parallel_loop3A_946 = arith.index_cast %parallel_loop3A_197 : i32 to index
        %parallel_loop3A_947 = arith.constant 320 : index
        %parallel_loop3A_948 = tpu.vector_load %arg5[%parallel_loop3A_944, %parallel_loop3A_945, %parallel_loop3A_946, %parallel_loop3A_947] {strides = array<i32>} : memref<4x4x16x384xf32, #tpu.memory_space<vmem>>, vector<1x1x1x16xf32>,
        %parallel_loop3A_949 = vector.shape_cast %parallel_loop3A_948 : vector<1x1x1x16xf32> to vector<16xf32>
        %parallel_loop3A_950 = vector.shape_cast %parallel_loop3A_942 : vector<16xf32> to vector<1x1x1x16xf32>
        tpu.vector_store %arg5[%parallel_loop3A_944, %parallel_loop3A_945, %parallel_loop3A_946, %parallel_loop3A_947], %parallel_loop3A_950 {add = true, strides = array<i32>} : memref<4x4x16x384xf32, #tpu.memory_space<vmem>>, vector<1x1x1x16xf32>,
        %parallel_loop3A_951 = arith.constant 1 : i32
        %parallel_loop3A_952 = arith.index_cast %rem3A_130 : i32 to index
        %parallel_loop3A_953 = arith.index_cast %parallel_loop3A_951 : i32 to index
        %parallel_loop3A_954 = arith.index_cast %parallel_loop3A_197 : i32 to index
        %parallel_loop3A_955 = arith.constant 320 : index
        %parallel_loop3A_956 = tpu.vector_load %arg5[%parallel_loop3A_952, %parallel_loop3A_953, %parallel_loop3A_954, %parallel_loop3A_955] {strides = array<i32>} : memref<4x4x16x384xf32, #tpu.memory_space<vmem>>, vector<1x1x1x16xf32>,
        %parallel_loop3A_957 = vector.shape_cast %parallel_loop3A_956 : vector<1x1x1x16xf32> to vector<16xf32>
        %parallel_loop3A_958 = vector.shape_cast %parallel_loop3A_942 : vector<16xf32> to vector<1x1x1x16xf32>
        tpu.vector_store %arg5[%parallel_loop3A_952, %parallel_loop3A_953, %parallel_loop3A_954, %parallel_loop3A_955], %parallel_loop3A_958 {add = true, strides = array<i32>} : memref<4x4x16x384xf32, #tpu.memory_space<vmem>>, vector<1x1x1x16xf32>,
        %parallel_loop3A_959 = arith.constant 2 : i32
        %parallel_loop3A_960 = arith.index_cast %rem3A_130 : i32 to index
        %parallel_loop3A_961 = arith.index_cast %parallel_loop3A_959 : i32 to index
        %parallel_loop3A_962 = arith.index_cast %parallel_loop3A_197 : i32 to index
        %parallel_loop3A_963 = arith.constant 320 : index
        %parallel_loop3A_964 = tpu.vector_load %arg5[%parallel_loop3A_960, %parallel_loop3A_961, %parallel_loop3A_962, %parallel_loop3A_963] {strides = array<i32>} : memref<4x4x16x384xf32, #tpu.memory_space<vmem>>, vector<1x1x1x16xf32>,
        %parallel_loop3A_965 = vector.shape_cast %parallel_loop3A_964 : vector<1x1x1x16xf32> to vector<16xf32>
        %parallel_loop3A_966 = vector.shape_cast %parallel_loop3A_942 : vector<16xf32> to vector<1x1x1x16xf32>
        tpu.vector_store %arg5[%parallel_loop3A_960, %parallel_loop3A_961, %parallel_loop3A_962, %parallel_loop3A_963], %parallel_loop3A_966 {add = true, strides = array<i32>} : memref<4x4x16x384xf32, #tpu.memory_space<vmem>>, vector<1x1x1x16xf32>,
        %parallel_loop3A_967 = arith.constant 3 : i32
        %parallel_loop3A_968 = arith.index_cast %rem3A_130 : i32 to index
        %parallel_loop3A_969 = arith.index_cast %parallel_loop3A_967 : i32 to index
        %parallel_loop3A_970 = arith.index_cast %parallel_loop3A_197 : i32 to index
        %parallel_loop3A_971 = arith.constant 320 : index
        %parallel_loop3A_972 = tpu.vector_load %arg5[%parallel_loop3A_968, %parallel_loop3A_969, %parallel_loop3A_970, %parallel_loop3A_971] {strides = array<i32>} : memref<4x4x16x384xf32, #tpu.memory_space<vmem>>, vector<1x1x1x16xf32>,
        %parallel_loop3A_973 = vector.shape_cast %parallel_loop3A_972 : vector<1x1x1x16xf32> to vector<16xf32>
        %parallel_loop3A_974 = vector.shape_cast %parallel_loop3A_942 : vector<16xf32> to vector<1x1x1x16xf32>
        tpu.vector_store %arg5[%parallel_loop3A_968, %parallel_loop3A_969, %parallel_loop3A_970, %parallel_loop3A_971], %parallel_loop3A_974 {add = true, strides = array<i32>} : memref<4x4x16x384xf32, #tpu.memory_space<vmem>>, vector<1x1x1x16xf32>,
        %parallel_loop3A_975 = arith.index_cast %rem3A_130 : i32 to index
        %parallel_loop3A_976 = arith.index_cast %parallel_loop3A_197 : i32 to index
        %parallel_loop3A_977 = arith.constant 336 : index
        %parallel_loop3A_978 = tpu.vector_load %arg6[%parallel_loop3A_975, %parallel_loop3A_976, %parallel_loop3A_977] {strides = array<i32>} : memref<4x16x384xf32, #tpu.memory_space<vmem>>, vector<1x1x16xf32>,
        %parallel_loop3A_979 = vector.shape_cast %parallel_loop3A_978 : vector<1x1x16xf32> to vector<16xf32>
        %parallel_loop3A_980 = arith.constant 0 : i32
        %parallel_loop3A_981 = arith.index_cast %rem3A_130 : i32 to index
        %parallel_loop3A_982 = arith.index_cast %parallel_loop3A_980 : i32 to index
        %parallel_loop3A_983 = arith.index_cast %parallel_loop3A_197 : i32 to index
        %parallel_loop3A_984 = arith.constant 336 : index
        %parallel_loop3A_985 = tpu.vector_load %arg5[%parallel_loop3A_981, %parallel_loop3A_982, %parallel_loop3A_983, %parallel_loop3A_984] {strides = array<i32>} : memref<4x4x16x384xf32, #tpu.memory_space<vmem>>, vector<1x1x1x16xf32>,
        %parallel_loop3A_986 = vector.shape_cast %parallel_loop3A_985 : vector<1x1x1x16xf32> to vector<16xf32>
        %parallel_loop3A_987 = vector.shape_cast %parallel_loop3A_979 : vector<16xf32> to vector<1x1x1x16xf32>
        tpu.vector_store %arg5[%parallel_loop3A_981, %parallel_loop3A_982, %parallel_loop3A_983, %parallel_loop3A_984], %parallel_loop3A_987 {add = true, strides = array<i32>} : memref<4x4x16x384xf32, #tpu.memory_space<vmem>>, vector<1x1x1x16xf32>,
        %parallel_loop3A_988 = arith.constant 1 : i32
        %parallel_loop3A_989 = arith.index_cast %rem3A_130 : i32 to index
        %parallel_loop3A_990 = arith.index_cast %parallel_loop3A_988 : i32 to index
        %parallel_loop3A_991 = arith.index_cast %parallel_loop3A_197 : i32 to index
        %parallel_loop3A_992 = arith.constant 336 : index
        %parallel_loop3A_993 = tpu.vector_load %arg5[%parallel_loop3A_989, %parallel_loop3A_990, %parallel_loop3A_991, %parallel_loop3A_992] {strides = array<i32>} : memref<4x4x16x384xf32, #tpu.memory_space<vmem>>, vector<1x1x1x16xf32>,
        %parallel_loop3A_994 = vector.shape_cast %parallel_loop3A_993 : vector<1x1x1x16xf32> to vector<16xf32>
        %parallel_loop3A_995 = vector.shape_cast %parallel_loop3A_979 : vector<16xf32> to vector<1x1x1x16xf32>
        tpu.vector_store %arg5[%parallel_loop3A_989, %parallel_loop3A_990, %parallel_loop3A_991, %parallel_loop3A_992], %parallel_loop3A_995 {add = true, strides = array<i32>} : memref<4x4x16x384xf32, #tpu.memory_space<vmem>>, vector<1x1x1x16xf32>,
        %parallel_loop3A_996 = arith.constant 2 : i32
        %parallel_loop3A_997 = arith.index_cast %rem3A_130 : i32 to index
        %parallel_loop3A_998 = arith.index_cast %parallel_loop3A_996 : i32 to index
        %parallel_loop3A_999 = arith.index_cast %parallel_loop3A_197 : i32 to index
        %parallel_loop3A_1000 = arith.constant 336 : index
        %parallel_loop3A_1001 = tpu.vector_load %arg5[%parallel_loop3A_997, %parallel_loop3A_998, %parallel_loop3A_999, %parallel_loop3A_1000] {strides = array<i32>} : memref<4x4x16x384xf32, #tpu.memory_space<vmem>>, vector<1x1x1x16xf32>,
        %parallel_loop3A_1002 = vector.shape_cast %parallel_loop3A_1001 : vector<1x1x1x16xf32> to vector<16xf32>
        %parallel_loop3A_1003 = vector.shape_cast %parallel_loop3A_979 : vector<16xf32> to vector<1x1x1x16xf32>
        tpu.vector_store %arg5[%parallel_loop3A_997, %parallel_loop3A_998, %parallel_loop3A_999, %parallel_loop3A_1000], %parallel_loop3A_1003 {add = true, strides = array<i32>} : memref<4x4x16x384xf32, #tpu.memory_space<vmem>>, vector<1x1x1x16xf32>,
        %parallel_loop3A_1004 = arith.constant 3 : i32
        %parallel_loop3A_1005 = arith.index_cast %rem3A_130 : i32 to index
        %parallel_loop3A_1006 = arith.index_cast %parallel_loop3A_1004 : i32 to index
        %parallel_loop3A_1007 = arith.index_cast %parallel_loop3A_197 : i32 to index
        %parallel_loop3A_1008 = arith.constant 336 : index
        %parallel_loop3A_1009 = tpu.vector_load %arg5[%parallel_loop3A_1005, %parallel_loop3A_1006, %parallel_loop3A_1007, %parallel_loop3A_1008] {strides = array<i32>} : memref<4x4x16x384xf32, #tpu.memory_space<vmem>>, vector<1x1x1x16xf32>,
        %parallel_loop3A_1010 = vector.shape_cast %parallel_loop3A_1009 : vector<1x1x1x16xf32> to vector<16xf32>
        %parallel_loop3A_1011 = vector.shape_cast %parallel_loop3A_979 : vector<16xf32> to vector<1x1x1x16xf32>
        tpu.vector_store %arg5[%parallel_loop3A_1005, %parallel_loop3A_1006, %parallel_loop3A_1007, %parallel_loop3A_1008], %parallel_loop3A_1011 {add = true, strides = array<i32>} : memref<4x4x16x384xf32, #tpu.memory_space<vmem>>, vector<1x1x1x16xf32>,
        %parallel_loop3A_1012 = arith.index_cast %rem3A_130 : i32 to index
        %parallel_loop3A_1013 = arith.index_cast %parallel_loop3A_197 : i32 to index
        %parallel_loop3A_1014 = arith.constant 352 : index
        %parallel_loop3A_1015 = tpu.vector_load %arg6[%parallel_loop3A_1012, %parallel_loop3A_1013, %parallel_loop3A_1014] {strides = array<i32>} : memref<4x16x384xf32, #tpu.memory_space<vmem>>, vector<1x1x16xf32>,
        %parallel_loop3A_1016 = vector.shape_cast %parallel_loop3A_1015 : vector<1x1x16xf32> to vector<16xf32>
        %parallel_loop3A_1017 = arith.constant 0 : i32
        %parallel_loop3A_1018 = arith.index_cast %rem3A_130 : i32 to index
        %parallel_loop3A_1019 = arith.index_cast %parallel_loop3A_1017 : i32 to index
        %parallel_loop3A_1020 = arith.index_cast %parallel_loop3A_197 : i32 to index
        %parallel_loop3A_1021 = arith.constant 352 : index
        %parallel_loop3A_1022 = tpu.vector_load %arg5[%parallel_loop3A_1018, %parallel_loop3A_1019, %parallel_loop3A_1020, %parallel_loop3A_1021] {strides = array<i32>} : memref<4x4x16x384xf32, #tpu.memory_space<vmem>>, vector<1x1x1x16xf32>,
        %parallel_loop3A_1023 = vector.shape_cast %parallel_loop3A_1022 : vector<1x1x1x16xf32> to vector<16xf32>
        %parallel_loop3A_1024 = vector.shape_cast %parallel_loop3A_1016 : vector<16xf32> to vector<1x1x1x16xf32>
        tpu.vector_store %arg5[%parallel_loop3A_1018, %parallel_loop3A_1019, %parallel_loop3A_1020, %parallel_loop3A_1021], %parallel_loop3A_1024 {add = true, strides = array<i32>} : memref<4x4x16x384xf32, #tpu.memory_space<vmem>>, vector<1x1x1x16xf32>,
        %parallel_loop3A_1025 = arith.constant 1 : i32
        %parallel_loop3A_1026 = arith.index_cast %rem3A_130 : i32 to index
        %parallel_loop3A_1027 = arith.index_cast %parallel_loop3A_1025 : i32 to index
        %parallel_loop3A_1028 = arith.index_cast %parallel_loop3A_197 : i32 to index
        %parallel_loop3A_1029 = arith.constant 352 : index
        %parallel_loop3A_1030 = tpu.vector_load %arg5[%parallel_loop3A_1026, %parallel_loop3A_1027, %parallel_loop3A_1028, %parallel_loop3A_1029] {strides = array<i32>} : memref<4x4x16x384xf32, #tpu.memory_space<vmem>>, vector<1x1x1x16xf32>,
        %parallel_loop3A_1031 = vector.shape_cast %parallel_loop3A_1030 : vector<1x1x1x16xf32> to vector<16xf32>
        %parallel_loop3A_1032 = vector.shape_cast %parallel_loop3A_1016 : vector<16xf32> to vector<1x1x1x16xf32>
        tpu.vector_store %arg5[%parallel_loop3A_1026, %parallel_loop3A_1027, %parallel_loop3A_1028, %parallel_loop3A_1029], %parallel_loop3A_1032 {add = true, strides = array<i32>} : memref<4x4x16x384xf32, #tpu.memory_space<vmem>>, vector<1x1x1x16xf32>,
        %parallel_loop3A_1033 = arith.constant 2 : i32
        %parallel_loop3A_1034 = arith.index_cast %rem3A_130 : i32 to index
        %parallel_loop3A_1035 = arith.index_cast %parallel_loop3A_1033 : i32 to index
        %parallel_loop3A_1036 = arith.index_cast %parallel_loop3A_197 : i32 to index
        %parallel_loop3A_1037 = arith.constant 352 : index
        %parallel_loop3A_1038 = tpu.vector_load %arg5[%parallel_loop3A_1034, %parallel_loop3A_1035, %parallel_loop3A_1036, %parallel_loop3A_1037] {strides = array<i32>} : memref<4x4x16x384xf32, #tpu.memory_space<vmem>>, vector<1x1x1x16xf32>,
        %parallel_loop3A_1039 = vector.shape_cast %parallel_loop3A_1038 : vector<1x1x1x16xf32> to vector<16xf32>
        %parallel_loop3A_1040 = vector.shape_cast %parallel_loop3A_1016 : vector<16xf32> to vector<1x1x1x16xf32>
        tpu.vector_store %arg5[%parallel_loop3A_1034, %parallel_loop3A_1035, %parallel_loop3A_1036, %parallel_loop3A_1037], %parallel_loop3A_1040 {add = true, strides = array<i32>} : memref<4x4x16x384xf32, #tpu.memory_space<vmem>>, vector<1x1x1x16xf32>,
        %parallel_loop3A_1041 = arith.constant 3 : i32
        %parallel_loop3A_1042 = arith.index_cast %rem3A_130 : i32 to index
        %parallel_loop3A_1043 = arith.index_cast %parallel_loop3A_1041 : i32 to index
        %parallel_loop3A_1044 = arith.index_cast %parallel_loop3A_197 : i32 to index
        %parallel_loop3A_1045 = arith.constant 352 : index
        %parallel_loop3A_1046 = tpu.vector_load %arg5[%parallel_loop3A_1042, %parallel_loop3A_1043, %parallel_loop3A_1044, %parallel_loop3A_1045] {strides = array<i32>} : memref<4x4x16x384xf32, #tpu.memory_space<vmem>>, vector<1x1x1x16xf32>,
        %parallel_loop3A_1047 = vector.shape_cast %parallel_loop3A_1046 : vector<1x1x1x16xf32> to vector<16xf32>
        %parallel_loop3A_1048 = vector.shape_cast %parallel_loop3A_1016 : vector<16xf32> to vector<1x1x1x16xf32>
        tpu.vector_store %arg5[%parallel_loop3A_1042, %parallel_loop3A_1043, %parallel_loop3A_1044, %parallel_loop3A_1045], %parallel_loop3A_1048 {add = true, strides = array<i32>} : memref<4x4x16x384xf32, #tpu.memory_space<vmem>>, vector<1x1x1x16xf32>,
        %parallel_loop3A_1049 = arith.index_cast %rem3A_130 : i32 to index
        %parallel_loop3A_1050 = arith.index_cast %parallel_loop3A_197 : i32 to index
        %parallel_loop3A_1051 = arith.constant 368 : index
        %parallel_loop3A_1052 = tpu.vector_load %arg6[%parallel_loop3A_1049, %parallel_loop3A_1050, %parallel_loop3A_1051] {strides = array<i32>} : memref<4x16x384xf32, #tpu.memory_space<vmem>>, vector<1x1x16xf32>,
        %parallel_loop3A_1053 = vector.shape_cast %parallel_loop3A_1052 : vector<1x1x16xf32> to vector<16xf32>
        %parallel_loop3A_1054 = arith.constant 0 : i32
        %parallel_loop3A_1055 = arith.index_cast %rem3A_130 : i32 to index
        %parallel_loop3A_1056 = arith.index_cast %parallel_loop3A_1054 : i32 to index
        %parallel_loop3A_1057 = arith.index_cast %parallel_loop3A_197 : i32 to index
        %parallel_loop3A_1058 = arith.constant 368 : index
        %parallel_loop3A_1059 = tpu.vector_load %arg5[%parallel_loop3A_1055, %parallel_loop3A_1056, %parallel_loop3A_1057, %parallel_loop3A_1058] {strides = array<i32>} : memref<4x4x16x384xf32, #tpu.memory_space<vmem>>, vector<1x1x1x16xf32>,
        %parallel_loop3A_1060 = vector.shape_cast %parallel_loop3A_1059 : vector<1x1x1x16xf32> to vector<16xf32>
        %parallel_loop3A_1061 = vector.shape_cast %parallel_loop3A_1053 : vector<16xf32> to vector<1x1x1x16xf32>
        tpu.vector_store %arg5[%parallel_loop3A_1055, %parallel_loop3A_1056, %parallel_loop3A_1057, %parallel_loop3A_1058], %parallel_loop3A_1061 {add = true, strides = array<i32>} : memref<4x4x16x384xf32, #tpu.memory_space<vmem>>, vector<1x1x1x16xf32>,
        %parallel_loop3A_1062 = arith.constant 1 : i32
        %parallel_loop3A_1063 = arith.index_cast %rem3A_130 : i32 to index
        %parallel_loop3A_1064 = arith.index_cast %parallel_loop3A_1062 : i32 to index
        %parallel_loop3A_1065 = arith.index_cast %parallel_loop3A_197 : i32 to index
        %parallel_loop3A_1066 = arith.constant 368 : index
        %parallel_loop3A_1067 = tpu.vector_load %arg5[%parallel_loop3A_1063, %parallel_loop3A_1064, %parallel_loop3A_1065, %parallel_loop3A_1066] {strides = array<i32>} : memref<4x4x16x384xf32, #tpu.memory_space<vmem>>, vector<1x1x1x16xf32>,
        %parallel_loop3A_1068 = vector.shape_cast %parallel_loop3A_1067 : vector<1x1x1x16xf32> to vector<16xf32>
        %parallel_loop3A_1069 = vector.shape_cast %parallel_loop3A_1053 : vector<16xf32> to vector<1x1x1x16xf32>
        tpu.vector_store %arg5[%parallel_loop3A_1063, %parallel_loop3A_1064, %parallel_loop3A_1065, %parallel_loop3A_1066], %parallel_loop3A_1069 {add = true, strides = array<i32>} : memref<4x4x16x384xf32, #tpu.memory_space<vmem>>, vector<1x1x1x16xf32>,
        %parallel_loop3A_1070 = arith.constant 2 : i32
        %parallel_loop3A_1071 = arith.index_cast %rem3A_130 : i32 to index
        %parallel_loop3A_1072 = arith.index_cast %parallel_loop3A_1070 : i32 to index
        %parallel_loop3A_1073 = arith.index_cast %parallel_loop3A_197 : i32 to index
        %parallel_loop3A_1074 = arith.constant 368 : index
        %parallel_loop3A_1075 = tpu.vector_load %arg5[%parallel_loop3A_1071, %parallel_loop3A_1072, %parallel_loop3A_1073, %parallel_loop3A_1074] {strides = array<i32>} : memref<4x4x16x384xf32, #tpu.memory_space<vmem>>, vector<1x1x1x16xf32>,
        %parallel_loop3A_1076 = vector.shape_cast %parallel_loop3A_1075 : vector<1x1x1x16xf32> to vector<16xf32>
        %parallel_loop3A_1077 = vector.shape_cast %parallel_loop3A_1053 : vector<16xf32> to vector<1x1x1x16xf32>
        tpu.vector_store %arg5[%parallel_loop3A_1071, %parallel_loop3A_1072, %parallel_loop3A_1073, %parallel_loop3A_1074], %parallel_loop3A_1077 {add = true, strides = array<i32>} : memref<4x4x16x384xf32, #tpu.memory_space<vmem>>, vector<1x1x1x16xf32>,
        %parallel_loop3A_1078 = arith.constant 3 : i32
        %parallel_loop3A_1079 = arith.index_cast %rem3A_130 : i32 to index
        %parallel_loop3A_1080 = arith.index_cast %parallel_loop3A_1078 : i32 to index
        %parallel_loop3A_1081 = arith.index_cast %parallel_loop3A_197 : i32 to index
        %parallel_loop3A_1082 = arith.constant 368 : index
        %parallel_loop3A_1083 = tpu.vector_load %arg5[%parallel_loop3A_1079, %parallel_loop3A_1080, %parallel_loop3A_1081, %parallel_loop3A_1082] {strides = array<i32>} : memref<4x4x16x384xf32, #tpu.memory_space<vmem>>, vector<1x1x1x16xf32>,
        %parallel_loop3A_1084 = vector.shape_cast %parallel_loop3A_1083 : vector<1x1x1x16xf32> to vector<16xf32>
        %parallel_loop3A_1085 = vector.shape_cast %parallel_loop3A_1053 : vector<16xf32> to vector<1x1x1x16xf32>
        tpu.vector_store %arg5[%parallel_loop3A_1079, %parallel_loop3A_1080, %parallel_loop3A_1081, %parallel_loop3A_1082], %parallel_loop3A_1085 {add = true, strides = array<i32>} : memref<4x4x16x384xf32, #tpu.memory_space<vmem>>, vector<1x1x1x16xf32>,
      } {sc.loop_unroll_factor = 1 : i64, sc.parallel_access}
      %mul3A_176 = arith.constant 16 : i32
      %mul3A_177 = arith.muli %add3A_129, %mul3A_176 : i32
      %add3A_178 = arith.addi %mul3A_2, %mul3A_177 : i32
      %dma_start3A_179 = arith.constant 0 : i32
      %dma_start3A_180 = arith.constant 0 : i32
      %dma_start3A_181 = arith.constant 0 : i32
      %dma_start3A_182 = tpu.memref_slice %arg5[%rem3A_130, %dma_start3A_179, %dma_start3A_180, %dma_start3A_181] : memref<4x4x16x384xf32, #tpu.memory_space<vmem>> -> memref<1x4x16x384xf32, #tpu.memory_space<vmem>>
      %dma_start3A_183 = tpu.memref_squeeze %dma_start3A_182 : memref<1x4x16x384xf32, #tpu.memory_space<vmem>> -> memref<4x16x384xf32, #tpu.memory_space<vmem>>
      %dma_start3A_184 = arith.constant 0 : i32
      %dma_start3A_185 = arith.constant 0 : i32
      %dma_start3A_186 = tpu.memref_slice %arg4[%dma_start3A_184, %add3A_178, %dma_start3A_185] : memref<4x4096x384xf32, #tpu.memory_space<hbm>> -> memref<4x16x384xf32, #tpu.memory_space<hbm>>
      %dma_start3A_187 = tpu.memref_slice %arg8[%rem3A_130] : memref<4x!tpu.dma_semaphore, #tpu.memory_space<semaphore_mem>> -> memref<1x!tpu.dma_semaphore, #tpu.memory_space<semaphore_mem>>
      %dma_start3A_188 = tpu.memref_squeeze %dma_start3A_187 : memref<1x!tpu.dma_semaphore, #tpu.memory_space<semaphore_mem>> -> memref<!tpu.dma_semaphore, #tpu.memory_space<semaphore_mem>>
      %dma_start3A_189 = arith.constant 0 : i32
      %dma_start3A_190 = arith.constant 0 : i32
      %dma_start3A_191 = tpu.memref_slice %arg4[%dma_start3A_189, %add3A_178, %dma_start3A_190] : memref<4x4096x384xf32, #tpu.memory_space<hbm>> -> memref<4x16x384xf32, #tpu.memory_space<hbm>>
      %dma_start3A_192 = arith.constant 0 : i32
      %dma_start3A_193 = arith.constant 0 : i32
      %dma_start3A_194 = arith.constant 0 : i32
      %dma_start3A_195 = tpu.memref_slice %arg5[%rem3A_130, %dma_start3A_192, %dma_start3A_193, %dma_start3A_194] : memref<4x4x16x384xf32, #tpu.memory_space<vmem>> -> memref<1x4x16x384xf32, #tpu.memory_space<vmem>>
      %dma_start3A_196 = tpu.memref_squeeze %dma_start3A_195 : memref<1x4x16x384xf32, #tpu.memory_space<vmem>> -> memref<4x16x384xf32, #tpu.memory_space<vmem>>
      tpu.enqueue_dma source(%dma_start3A_196 : memref<4x16x384xf32, #tpu.memory_space<vmem>>) target(%dma_start3A_191 : memref<4x16x384xf32, #tpu.memory_space<hbm>>) target_semaphore(%dma_start3A_188 : memref<!tpu.dma_semaphore, #tpu.memory_space<semaphore_mem>>)
    }
    %scan3A_81 = arith.constant 8 : i32
    %add3A_82 = arith.constant 96 : i32
    %add3A_83 = arith.addi %mul3A_2, %add3A_82 : i32
    %dma_wait3A = arith.constant 2 : i32
    %dma_wait3A_84 = arith.constant 2 : i32
    %dma_wait3A_85 = arith.constant 0 : i32
    %dma_wait3A_86 = arith.constant 0 : i32
    %dma_wait3A_87 = arith.constant 0 : i32
    %dma_wait3A_88 = tpu.memref_slice %arg5[%dma_wait3A, %dma_wait3A_85, %dma_wait3A_86, %dma_wait3A_87] : memref<4x4x16x384xf32, #tpu.memory_space<vmem>> -> memref<1x4x16x384xf32, #tpu.memory_space<vmem>>
    %dma_wait3A_89 = tpu.memref_squeeze %dma_wait3A_88 : memref<1x4x16x384xf32, #tpu.memory_space<vmem>> -> memref<4x16x384xf32, #tpu.memory_space<vmem>>
    %dma_wait3A_90 = arith.constant 0 : i32
    %dma_wait3A_91 = arith.constant 0 : i32
    %dma_wait3A_92 = tpu.memref_slice %arg4[%dma_wait3A_90, %add3A_83, %dma_wait3A_91] : memref<4x4096x384xf32, #tpu.memory_space<hbm>> -> memref<4x16x384xf32, #tpu.memory_space<hbm>>
    %dma_wait3A_93 = tpu.memref_slice %arg8[%dma_wait3A_84] : memref<4x!tpu.dma_semaphore, #tpu.memory_space<semaphore_mem>> -> memref<1x!tpu.dma_semaphore, #tpu.memory_space<semaphore_mem>>
    %dma_wait3A_94 = tpu.memref_squeeze %dma_wait3A_93 : memref<1x!tpu.dma_semaphore, #tpu.memory_space<semaphore_mem>> -> memref<!tpu.dma_semaphore, #tpu.memory_space<semaphore_mem>>
    %dma_wait3A_95 = arith.constant 0 : i32
    %dma_wait3A_96 = arith.constant 0 : i32
    %dma_wait3A_97 = tpu.memref_slice %arg4[%dma_wait3A_95, %add3A_83, %dma_wait3A_96] : memref<4x4096x384xf32, #tpu.memory_space<hbm>> -> memref<4x16x384xf32, #tpu.memory_space<hbm>>
    %dma_wait3A_98 = arith.constant 0 : i32
    %dma_wait3A_99 = arith.constant 0 : i32
    %dma_wait3A_100 = arith.constant 0 : i32
    %dma_wait3A_101 = tpu.memref_slice %arg5[%dma_wait3A, %dma_wait3A_98, %dma_wait3A_99, %dma_wait3A_100] : memref<4x4x16x384xf32, #tpu.memory_space<vmem>> -> memref<1x4x16x384xf32, #tpu.memory_space<vmem>>
    %dma_wait3A_102 = tpu.memref_squeeze %dma_wait3A_101 : memref<1x4x16x384xf32, #tpu.memory_space<vmem>> -> memref<4x16x384xf32, #tpu.memory_space<vmem>>
    tpu.wait_dma2 semaphore(%dma_wait3A_94 : memref<!tpu.dma_semaphore, #tpu.memory_space<semaphore_mem>>) src(%dma_wait3A_102 : memref<4x16x384xf32, #tpu.memory_space<vmem>>) dst(%dma_wait3A_97 : memref<4x16x384xf32, #tpu.memory_space<hbm>>)
    %add3A_103 = arith.constant 112 : i32
    %add3A_104 = arith.addi %mul3A_2, %add3A_103 : i32
    %dma_wait3A_105 = arith.constant 3 : i32
    %dma_wait3A_106 = arith.constant 3 : i32
    %dma_wait3A_107 = arith.constant 0 : i32
    %dma_wait3A_108 = arith.constant 0 : i32
    %dma_wait3A_109 = arith.constant 0 : i32
    %dma_wait3A_110 = tpu.memref_slice %arg5[%dma_wait3A_105, %dma_wait3A_107, %dma_wait3A_108, %dma_wait3A_109] : memref<4x4x16x384xf32, #tpu.memory_space<vmem>> -> memref<1x4x16x384xf32, #tpu.memory_space<vmem>>
    %dma_wait3A_111 = tpu.memref_squeeze %dma_wait3A_110 : memref<1x4x16x384xf32, #tpu.memory_space<vmem>> -> memref<4x16x384xf32, #tpu.memory_space<vmem>>
    %dma_wait3A_112 = arith.constant 0 : i32
    %dma_wait3A_113 = arith.constant 0 : i32
    %dma_wait3A_114 = tpu.memref_slice %arg4[%dma_wait3A_112, %add3A_104, %dma_wait3A_113] : memref<4x4096x384xf32, #tpu.memory_space<hbm>> -> memref<4x16x384xf32, #tpu.memory_space<hbm>>
    %dma_wait3A_115 = tpu.memref_slice %arg8[%dma_wait3A_106] : memref<4x!tpu.dma_semaphore, #tpu.memory_space<semaphore_mem>> -> memref<1x!tpu.dma_semaphore, #tpu.memory_space<semaphore_mem>>
    %dma_wait3A_116 = tpu.memref_squeeze %dma_wait3A_115 : memref<1x!tpu.dma_semaphore, #tpu.memory_space<semaphore_mem>> -> memref<!tpu.dma_semaphore, #tpu.memory_space<semaphore_mem>>
    %dma_wait3A_117 = arith.constant 0 : i32
    %dma_wait3A_118 = arith.constant 0 : i32
    %dma_wait3A_119 = tpu.memref_slice %arg4[%dma_wait3A_117, %add3A_104, %dma_wait3A_118] : memref<4x4096x384xf32, #tpu.memory_space<hbm>> -> memref<4x16x384xf32, #tpu.memory_space<hbm>>
    %dma_wait3A_120 = arith.constant 0 : i32
    %dma_wait3A_121 = arith.constant 0 : i32
    %dma_wait3A_122 = arith.constant 0 : i32
    %dma_wait3A_123 = tpu.memref_slice %arg5[%dma_wait3A_105, %dma_wait3A_120, %dma_wait3A_121, %dma_wait3A_122] : memref<4x4x16x384xf32, #tpu.memory_space<vmem>> -> memref<1x4x16x384xf32, #tpu.memory_space<vmem>>
    %dma_wait3A_124 = tpu.memref_squeeze %dma_wait3A_123 : memref<1x4x16x384xf32, #tpu.memory_space<vmem>> -> memref<4x16x384xf32, #tpu.memory_space<vmem>>
    tpu.wait_dma2 semaphore(%dma_wait3A_116 : memref<!tpu.dma_semaphore, #tpu.memory_space<semaphore_mem>>) src(%dma_wait3A_124 : memref<4x16x384xf32, #tpu.memory_space<vmem>>) dst(%dma_wait3A_119 : memref<4x16x384xf32, #tpu.memory_space<hbm>>)
    return
  }
}

</mosaic_0001>

<sc_bundles>
// kernel: kernel.3.cloned.1.call-start
scs
__scs_entry_jumppad:
0x0: {  	(pc) =	sbr.rel $0x88, $3  }
0x1: {  	(tag) =	ssettag $0x0;
	lr =	simm.s32 $0x1  }
0x2: {  	[smem:$0x3F9F] =	sst lr;
	_ =	strace $0xD0000000  }
0x3: {  	_ = 	snop  }
0x4: {  	_ = 	snop  }
0x5: {  	_ = 	snop  }
0x6: {  	_ = 	snop  }
0x7: {  	_ = 	snop  }
__scs_overlays_trampoline_lowered:
0x8: {  	[smem:$0x3FAE] =	sst s0  }
0x9: {  	[smem:$0x3FAF] =	sst s1  }
0xa: {  	[smem:$0x3FB0] =	sst s2  }
0xb: {  	[smem:$0x3FB1] =	sst s3  }
0xc: {  	[smem:$0x3FB2] =	sst s4  }
0xd: {  	[smem:$0x3FB3] =	sst s5  }
0xe: {  	[smem:$0x3FB4] =	sst s6  }
0xf: {  	[smem:$0x3FB5] =	sst s7  }
0x10: {  	[smem:$0x3FB6] =	sst s8  }
0x11: {  	[smem:$0x3FB7] =	sst s9;
	s0 =	simm.s32 @!p0 $0x0  }
0x12: {  	s1 =	sld [smem:$0x3F9D];
	s0 =	simm.s32 @p0 $0x1  }
0x13: {  	[smem:$0x3FB8] =	sst s0;
	s0 =	simm.s32 @!p1 $0x0  }
0x14: {  	s2 =	sld [smem:$0x3F9C];
	s0 =	simm.s32 @p1 $0x1  }
0x15: {  	[smem:$0x3FB9] =	sst s0;
	s0 =	simm.s32 @!p2 $0x0  }
0x16: {  	s3 =	sld [smem:$0x3FDB];
	s0 =	simm.s32 @p2 $0x1  }
0x17: {  	s4 =	simm.s32 $0x1BF5;
	[smem:$0x3FBB] =	sst s0  }
0x18: {  	s0 =	sld [smem:$0x3F9E];
	_ =	swait.ge [sflag:s4], $0x0  }
0x19: {  	s7 =	sld [smem:$0x3F9F]  }
0x1a: {  	s8 =	sadd.s32 $0xFFFFE003, lr  }
0x1b: {  	s9 =	sadd.s32 $0xFFFFFEF7, lr;
	s5 =	simm.s32 $0xFFFFFFFF;
	p2 =	slt.u32 s8, $0xFFFFF086  }
0x1c: {  	p1 =	slt.u32 s9, $0xF7A;
	s5 =	simm.s32 @!p2 $0x0  }
0x1d: {  	s5 =	simm.s32 @p1 $0x1;
	p0 =	seq.s32 s7, s2  }
0x1e: {  	s7 =	smul.u32 @!p0 $0xF7A, s2;
	p2 =	seq.s32 @!p0 s5, $0x0  }
0x1f: {  	s9 =	smul.u32 $0xF7A, s1;
	s8 =	simm.s32 @!p0 $0x1BF5;
	p2 =	por !p2, p0  }
0x20: {  	[sflag:s8] =	ssyncset.s32 @!p0 $0xFFFFF086;
	s6 =	sadd.s32 @!p0 s3, s7;
	s7 =	simm.s32 @!p0 $0x108  }
0x21: {  	s3 =	sadd.s32 s3, s9;
	s6 =	sadd.s32 @!p0 $0x88, s6;
	s7 =	simm.s32 @p2 $0x1082  }
0x22: {  	[simem:s7], [sflag:s8] =	dma.local @!p0 [hbm:s6], $0xF7A  }
0x23: {  	s9 =	sor.u32 $0xD0000000, s2;
	s6 =	simm.s32 $0x108;
	_ =	swait.ge @!p0 [sflag:s8], $0x0  }
0x24: {  	s3 =	sadd.s32 $0x88, s3;
	s6 =	simm.s32 @!p1 $0x1082;
	[sflag:s4] =	ssyncset.s32 $0xFFFFF086  }
0x25: {  	[simem:s6], [sflag:s4] =	dma.local [hbm:s3], $0xF7A  }
0x26: {  	[smem:$0x3F9F] =	sst s1;
	(tag) =	ssettag s2;
	_ =	strace s9  }
0x27: {  	s1 =	sld [smem:$0x3FAF]  }
0x28: {  	s2 =	sld [smem:$0x3FB0]  }
0x29: {  	s4 =	sld [smem:$0x3FB2]  }
0x2a: {  	p0 =	seq.s32 s5, $0x0;
	s5 =	sld [smem:$0x3FB3]  }
0x2b: {  	s6 =	sld [smem:$0x3FB4]  }
0x2c: {  	s7 =	sld [smem:$0x3FB5]  }
0x2d: {  	s3 =	simm.s32 $0x108;
	s8 =	sld [smem:$0x3FB6]  }
0x2e: {  	s3 =	simm.s32 @!p0 $0x1082;
	s9 =	sld [smem:$0x3FB7]  }
0x2f: {  	lr =	sadd.s32 s0, s3;
	s0 =	sld [smem:$0x3FAE]  }
0x30: {  	s3 =	sld [smem:$0x3FB1]  }
0x31: {  	[smem:$0x3FBA] =	sst s10  }
0x32: {  	s10 =	sld [smem:$0x3FB8];
	_ =	sdelay $0x3  }
0x33: {  	p0 =	seq.s32 s10, $0x1;
	s10 =	sld [smem:$0x3FBA];
	_ =	sdelay $0x3  }
0x34: {  	[smem:$0x3FBA] =	sst s10  }
0x35: {  	s10 =	sld [smem:$0x3FB9];
	_ =	sdelay $0x3  }
0x36: {  	p1 =	seq.s32 s10, $0x1;
	s10 =	sld [smem:$0x3FBA];
	_ =	sdelay $0x3  }
0x37: {  	[smem:$0x3FBA] =	sst s10  }
0x38: {  	s10 =	sld [smem:$0x3FBB]  }
0x39: {  	_ = 	snop;
	(pc) =	sbr.ind lr, $3  }
0x3a: {  	_ = 	snop  }
0x3b: {  	_ = 	snop  }
0x3c: {  	p2 =	seq.s32 s10, $0x1;
	s10 =	sld [smem:$0x3FBA]  }
0x3d: {  	_ =	shalt  }
0x3e: {  	_ =	shalt  }
0x3f: {  	_ =	shalt  }
0x40: {  	_ =	shalt  }
0x41: {  	_ =	shalt  }
0x42: {  	_ =	shalt  }
0x43: {  	_ =	shalt  }
0x44: {  	_ =	shalt  }
0x45: {  	_ =	shalt  }
0x46: {  	_ =	shalt  }
0x47: {  	_ =	shalt  }
0x48: {  	_ =	shalt  }
0x49: {  	_ =	shalt  }
0x4a: {  	_ =	shalt  }
0x4b: {  	_ =	shalt  }
0x4c: {  	_ =	shalt  }
0x4d: {  	_ =	shalt  }
0x4e: {  	_ =	shalt  }
0x4f: {  	_ =	shalt  }
0x50: {  	_ =	shalt  }
0x51: {  	_ =	shalt  }
0x52: {  	_ =	shalt  }
0x53: {  	_ =	shalt  }
0x54: {  	_ =	shalt  }
0x55: {  	_ =	shalt  }
0x56: {  	_ =	shalt  }
0x57: {  	_ =	shalt  }
0x58: {  	_ =	shalt  }
0x59: {  	_ =	shalt  }
0x5a: {  	_ =	shalt  }
0x5b: {  	_ =	shalt  }
0x5c: {  	_ =	shalt  }
0x5d: {  	_ =	shalt  }
0x5e: {  	_ =	shalt  }
0x5f: {  	_ =	shalt  }
0x60: {  	_ =	shalt  }
0x61: {  	_ =	shalt  }
0x62: {  	_ =	shalt  }
0x63: {  	_ =	shalt  }
0x64: {  	_ =	shalt  }
0x65: {  	_ =	shalt  }
0x66: {  	_ =	shalt  }
0x67: {  	_ =	shalt  }
0x68: {  	_ =	shalt  }
0x69: {  	_ =	shalt  }
0x6a: {  	_ =	shalt  }
0x6b: {  	_ =	shalt  }
0x6c: {  	_ =	shalt  }
0x6d: {  	_ =	shalt  }
0x6e: {  	_ =	shalt  }
0x6f: {  	_ =	shalt  }
0x70: {  	_ =	shalt  }
0x71: {  	_ =	shalt  }
0x72: {  	_ =	shalt  }
0x73: {  	_ =	shalt  }
0x74: {  	_ =	shalt  }
0x75: {  	_ =	shalt  }
0x76: {  	_ =	shalt  }
0x77: {  	_ =	shalt  }
0x78: {  	_ =	shalt  }
0x79: {  	_ =	shalt  }
0x7a: {  	_ =	shalt  }
0x7b: {  	_ =	shalt  }
0x7c: {  	_ =	shalt  }
0x7d: {  	_ =	shalt  }
0x7e: {  	_ =	shalt  }
0x7f: {  	_ =	shalt  }
0x80: {  	_ =	shalt  }
0x81: {  	_ =	shalt  }
0x82: {  	_ =	shalt  }
0x83: {  	_ =	shalt  }
0x84: {  	_ =	shalt  }
0x85: {  	_ =	shalt  }
0x86: {  	_ =	shalt  }
0x87: {  	_ =	shalt  }
.Lfunc_end0:
.L_simem_size_0:
called_computation_lowered:
.L_overlay_start_0:
0x88: {  	s2 =	sld [smem:$0x3FD9]  }
0x89: {  	s3 =	sld [smem:$0x3FFE];
	_ =	sdelay $0x1  }
0x8a: {  	s1 =	srdreg.scid  }
0x8b: {  	s0 =	sand.u32 $0x1, s1  }
0x8c: {  	s18 =	sshll.u32 s0, $0xA;
	s2 =	sadd.s32 s3, s2  }
0x8d: {  	s2 =	sadd.s32 s2, s18  }
0x8e: {  	[smem:$0x3FC6] =	sst s2  }
0x8f: {  	_ = 	snop  }
0x90: {  	s2 =	sld [smem:$0x3FC9]  }
0x91: {  	s19 =	sld [smem:$0x3FC8]  }
0x92: {  	s4 =	sld [smem:$0x3FD0];
	(tm) =	ssettm $0x1  }
0x93: {  	s5 =	sld [smem:$0x3FFB];
	_ =	sdelay $0x3  }
0x94: {  	_ =	strace s5  }
0x95: {  	s5 =	sld [smem:$0x3FFC];
	_ =	sdelay $0x3  }
0x96: {  	_ =	strace s5  }
0x97: {  	s5 =	sld [smem:$0x3FFD];
	_ =	sdelay $0x3  }
0x98: {  	_ =	strace s5  }
0x99: {  	_ =	strace $0x8FFFFFFF  }
0x9a: {  	s20 =	sld [smem:$0x3FDB];
	_ =	sdelay $0x1  }
0x9b: {  	s6 =	simm.s32 $_scs_section_size  }
0x9c: {  	s7 =	simm.s32 $_size__tile_overlayer_lowered;
	s8 =	simm.s32 $_tile_overlayer_lowered  }
0x9d: {  	s23 =	simm.s32 $0x1BFF;
	s22 =	sshll.u32 s8, $0x1;
	s5 =	sadd.s32 s6, s20  }
0x9e: {  	s9 =	simm.s32 $0x0;
	s21 =	sshll.u32 s7, $0x1;
	s7 =	sadd.s32 s22, s5  }
0x9f: {  	[timem:s9], [sflag:s23] =	dma.local [hbm:s7], s21  }
0xa0: {  	_ =	swait.ge [sflag:s23], s21  }
0xa1: {  	s6 =	ssub.s32 $0x0, s21;
	[sflag:s23] =	ssyncset.done $0x0  }
0xa2: {  	[sflag:s23] =	ssyncadd.s32 s6;
	_ =	sdelay $0x1  }
0xa3: {  	s24 =	simm.s32 $0x1B8B  }
0xa4: {  	_ =	swait.ge [sflag:s24], $0x1  }
0xa5: {  	[sflag:s24] =	ssyncset.done $0x0  }
0xa6: {  	s25 =	simm.s32 $0x1B8E;
	[sflag:s24] =	ssyncadd.s32 $0xFFFFFFFF  }
0xa7: {  	s26 =	simm.s32 $execute0_lowered;
	[smem:$0x3FD2] =	sst s25  }
0xa8: {  	s6 =	sshll.u32 s26, $0x1;
	_ =	strace $0x80000046;
	[dreg:$0x1] =	wrdreg $0xFFFFFFFF  }
0xa9: {  	s28 =	simm.s32 $_size_execute0_lowered;
	s5 =	sadd.s32 s5, s6;
	[dreg:$0x0] =	wrdreg $0x0  }
0xaa: {  	s6 =	sshll.u32 s28, $0x1;
	[dreg:$0x2] =	wrdreg s5  }
0xab: {  	[dreg:$0x3] =	wrdreg s6  }
0xac: {  	[dreg:$0x4] =	wrdreg $0xC0  }
0xad: {  	_ =	task [dreg:s9], $0x5FFFF  }
0xae: {  	[dreg:$0x1] =	wrdreg $0xFFFFFFFF  }
0xaf: {  	[dreg:$0x0] =	wrdreg $0x60  }
0xb0: {  	[dreg:$0x2] =	wrdreg s2  }
0xb1: {  	[dreg:$0x3] =	wrdreg s19  }
0xb2: {  	[dreg:$0x4] =	wrdreg s4  }
0xb3: {  	[dreg:$0x5] =	wrdreg $0x9  }
0xb4: {  	_ =	task.clear_ibuf [dreg:s9], $0x6FFFF;
	_ =	strace $0x90000046  }
0xb5: {  	s29 =	simm.s32 $0x9;
	_ =	strace $0x80000048  }
0xb6: {  	_ =	swait.ge [sflag:s29], $0x1  }
0xb7: {  	[sflag:s29] =	ssyncadd.s32 $0xFFFFFFFF  }
0xb8: {  	_ =	strace $0x90000048  }
0xb9: {  	_ =	sfence  }
0xba: {  	s30 =	sld [smem:$0x0];
	_ =	sdelay $0x2  }
0xbb: {  	s31 =	sshll.u32 s1, $0xD;
	s1 =	sshrl.u32 s1, $0x2  }
0xbc: {  	s3 =	sand.u32 $0x4000, s31;
	s1 =	sadd.s32 s1, s30  }
0xbd: {  	s0 =	sor.u32 s3, s0;
	s1 =	sshll.u32 s1, $0x11  }
0xbe: {  	s0 =	sor.u32 s1, s0  }
0xbf: {  	s0 =	sadd.s32 $0x8F2B, s0  }
0xc0: {  	[sflag:s0] =	ssyncadd.remote.s32 $0x1  }
0xc1: {  	_ =	sfence.sel $0xFFFF  }
0xc2: {  	[dreg:$0x0] =	wrdreg $0xFFFFFFFF;
	(pc) =	sbr.abs _section_cstart, $3  }
0xc3: {  	[dreg:$0x1] =	wrdreg $0xFFFFFFFF  }
0xc4: {  	_ =	task.clear_ibuf [dreg:s9], $0x2FFFF;
	_ =	strace $0x9FFFFFFF  }
0xc5: {  	(tm) =	ssettm $0x7FFFFFFF  }
tec
execute0_lowered:
.L_overlay_start_1:
0x0: {  	(tag) =	ssettag $0x1  }
0x1: {  	s0 =	srdreg.scid;
	s1 =	rddreg [dreg:$0x0]  }
0x2: {  	s4 =	stileid.u32;
	s3 =	rddreg [dreg:$0x1];
	s6 =	simm.s32 $0x0  }
0x3: {  	s13 =	simm.s32 $0x1800;
	s14 =	simm.s32 $0x180000;
	s0 =	sand.u32 $0x1, s0  }
0x4: {  	s16 =	simm.s32 $0x6000;
	s5 =	sshll.u32 s4, $0x7;
	s2 =	sshll.u32 s0, $0xB  }
0x5: {  	s17 =	simm.s32 $0x7;
	s18 =	simm.s32 $0x8;
	s5 =	sor.u32 s5, s2  }
0x6: {  	s19 =	simm.s32 $0x0;
	s0 =	ssub.s32 $0x2, s0;
	s2 =	sshrl.u32 s5, $0x3  }
0x7: {  	[smem:$0x7FF] =	sst s6;
	s7 =	sshrl.u32 s0, $0x1;
	s2 =	smul.u32 $0x180, s2  }
0x8: {  	s4 =	rddreg [dreg:$0x2];
	_ =	strace $0x80000047;
	s0 =	ssub.s32 s0, s7  }
0x9: {  	s11 =	smax.u32 s0, $0x1;
	s7 =	sadd.s32 s3, s2;
	s10 =	sor.u32 $0x300, s2  }
0xa: {  	s8 =	sadd.s32 s1, s2;
	s9 =	sadd.s32 s3, s10;
	s10 =	sadd.s32 s1, s10  }
.LBB2_1:
0xb: {  	s0 =	simm.s32 $0x18000  }
0xc: {  	[tilespmem:s0], [sflag:$0x1] =	stream.linear.gather [hbm4b:s7+s6], $0x1800, $0x38;
	[tilespmem:$0x1E000] =	vst v63  }
0xd: {  	_ = 	snop  }
0xe: {  	[tilespmem:s6], [sflag:$0x1] =	stream.strided.gather [hbm4b:s8+s13], $0x6000, s14, s13, $0x38;
	[tilespmem:$0x1E000] =	vst v63  }
0xf: {  	s31 =	simm.s32 $0x19800  }
0x10: {  	[tilespmem:s31], [sflag:$0x2] =	stream.linear.gather [hbm4b:s9+s6], $0x1800, $0x38;
	[tilespmem:$0x1E000] =	vst v63  }
0x11: {  	s20 =	simm.s32 $0x0  }
0x12: {  	[tilespmem:s16], [sflag:$0x2] =	stream.strided.gather [hbm4b:s10+s13], $0x6000, s14, s13, $0x38;
	[tilespmem:$0x1E000] =	vst v63  }
.LBB2_2:
0x13: {  	s21 =	sand.u32 $0x3, s20  }
0x14: {  	s0 =	sadd.s32 $0x1, s21  }
0x15: {  	_ =	swait.ge [sflag:s0], $0x1800  }
0x16: {  	[sflag:s0] =	ssyncset.done $0x0  }
0x17: {  	[sflag:s0] =	ssyncadd.s32 $0xFFFFE800  }
0x18: {  	p0 =	slt.u32 s20, $0x2;
	_ =	swait.ge [sflag:s0], $0x6000  }
0x19: {  	s2 =	sxor.u32 @!p0 $0x2, s21;
	[sflag:s0] =	ssyncset.done $0x0  }
0x1a: {  	[sflag:s0] =	ssyncadd.s32 $0xFFFFA000;
	s0 =	sadd.s32 @!p0 $0x5, s2  }
0x1b: {  	p1 =	sgt.u32 @!p0 s20, $0x5;
	_ =	swait.ge @!p0 [sflag:s0], $0x6000  }
0x1c: {  	p1 =	por p0, !p1;
	[sflag:s0] =	ssyncset.done @!p0 $0x0  }
0x1d: {  	[sflag:s0] =	ssyncadd.s32 @!p0 $0xFFFFA000;
	s0 =	sadd.s32 @p1 $0x2, s20  }
0x1e: {  	s2 =	sshll.u32 @p1 s0, $0x4  }
0x1f: {  	s0 =	sand.u32 @p1 $0x3, s0;
	s2 =	sadd.s32 @p1 s5, s2  }
0x20: {  	s12 =	smul.u32 @p1 $0x6000, s0;
	s2 =	sshrl.u32 @p1 s2, $0x3  }
0x21: {  	s2 =	smul.u32 @p1 $0x180, s2  }
0x22: {  	s22 =	sadd.s32 @p1 $0x1, s0;
	s12 =	sshrl.u32 @p1 s12, $0x2  }
0x23: {  	s0 =	smul.u32 @p1 $0x18000, s0;
	s12 =	sor.u32 @p1 $0x18000, s12;
	s23 =	sadd.s32 @p1 s3, s2  }
0x24: {  	[tilespmem:s12], [sflag:s22] =	stream.linear.gather @p1 [hbm4b:s23+s6], $0x1800, $0x38;
	[tilespmem:$0x1E000] =	vst v63  }
0x25: {  	s0 =	sshrl.u32 @p1 s0, $0x2;
	s2 =	sadd.s32 @p1 s1, s2  }
0x26: {  	[tilespmem:s0], [sflag:s22] =	stream.strided.gather @p1 [hbm4b:s2+s13], $0x6000, s14, s13, $0x38;
	[tilespmem:$0x1E000] =	vst v63  }
0x27: {  	s22 =	smul.u32 $0x6000, s21  }
0x28: {  	s25 =	simm.s32 $0x0  }
0x29: {  	s12 =	smul.u32 $0xC00, s25;
	s26 =	sshrl.u32 s22, $0x2  }
0x2a: {  	s2 =	simm.s32 $0x0;
	s26 =	sor.u32 $0x18000, s26  }
0x2b: {  	s15 =	sand.u32 $0x380, s2;
	s24 =	sadd.s32 s12, s26  }
0x2c: {  	s0 =	sadd.s32 s15, s24  }
0x2d: {  	v0 =	vld [tilespmem:s0+$0x0];
	_ =	sdelay $0x2  }
0x2e: {  	s25 =	sadd.s32 s12, s22  }
0x2f: {  	s23 =	sadd.s32 s15, s25  }
0x30: {  	s28 =	sadd.s32 $0x4800, s22;
	[tilespmem:s23+$0x0] =	vst.add.f32.msk $0xffff, v0  }
0x31: {  	s12 =	sadd.s32 s12, s28;
	[tilespmem:s23+$0x1800] =	vst.add.f32.msk $0xffff, v0  }
0x32: {  	s24 =	sadd.s32 s15, s12;
	[tilespmem:s23+$0x3000] =	vst.add.f32.msk $0xffff, v0  }
0x33: {  	[tilespmem:s24+$0x0] =	vst.add.f32.msk $0xffff, v0  }
0x34: {  	v0 =	vld [tilespmem:s0+$0x10];
	_ =	sdelay $0x4  }
0x35: {  	[tilespmem:s23+$0x10] =	vst.add.f32.msk $0xffff, v0  }
0x36: {  	[tilespmem:s23+$0x1810] =	vst.add.f32.msk $0xffff, v0  }
0x37: {  	[tilespmem:s23+$0x3010] =	vst.add.f32.msk $0xffff, v0  }
0x38: {  	[tilespmem:s24+$0x10] =	vst.add.f32.msk $0xffff, v0  }
0x39: {  	v0 =	vld [tilespmem:s0+$0x20];
	_ =	sdelay $0x4  }
0x3a: {  	[tilespmem:s23+$0x20] =	vst.add.f32.msk $0xffff, v0  }
0x3b: {  	[tilespmem:s23+$0x1820] =	vst.add.f32.msk $0xffff, v0  }
0x3c: {  	[tilespmem:s23+$0x3020] =	vst.add.f32.msk $0xffff, v0  }
0x3d: {  	[tilespmem:s24+$0x20] =	vst.add.f32.msk $0xffff, v0  }
0x3e: {  	v0 =	vld [tilespmem:s0+$0x30];
	_ =	sdelay $0x4  }
0x3f: {  	[tilespmem:s23+$0x30] =	vst.add.f32.msk $0xffff, v0  }
0x40: {  	[tilespmem:s23+$0x1830] =	vst.add.f32.msk $0xffff, v0  }
0x41: {  	[tilespmem:s23+$0x3030] =	vst.add.f32.msk $0xffff, v0  }
0x42: {  	[tilespmem:s24+$0x30] =	vst.add.f32.msk $0xffff, v0  }
0x43: {  	v0 =	vld [tilespmem:s0+$0x40];
	_ =	sdelay $0x4  }
0x44: {  	[tilespmem:s23+$0x40] =	vst.add.f32.msk $0xffff, v0  }
0x45: {  	[tilespmem:s23+$0x1840] =	vst.add.f32.msk $0xffff, v0  }
0x46: {  	[tilespmem:s23+$0x3040] =	vst.add.f32.msk $0xffff, v0  }
0x47: {  	[tilespmem:s24+$0x40] =	vst.add.f32.msk $0xffff, v0  }
0x48: {  	v0 =	vld [tilespmem:s0+$0x50];
	_ =	sdelay $0x4  }
0x49: {  	[tilespmem:s23+$0x50] =	vst.add.f32.msk $0xffff, v0  }
0x4a: {  	[tilespmem:s23+$0x1850] =	vst.add.f32.msk $0xffff, v0  }
0x4b: {  	[tilespmem:s23+$0x3050] =	vst.add.f32.msk $0xffff, v0  }
0x4c: {  	[tilespmem:s24+$0x50] =	vst.add.f32.msk $0xffff, v0  }
0x4d: {  	v0 =	vld [tilespmem:s0+$0x60];
	_ =	sdelay $0x4  }
0x4e: {  	[tilespmem:s23+$0x60] =	vst.add.f32.msk $0xffff, v0  }
0x4f: {  	[tilespmem:s23+$0x1860] =	vst.add.f32.msk $0xffff, v0  }
0x50: {  	[tilespmem:s23+$0x3060] =	vst.add.f32.msk $0xffff, v0  }
0x51: {  	[tilespmem:s24+$0x60] =	vst.add.f32.msk $0xffff, v0  }
0x52: {  	v0 =	vld [tilespmem:s0+$0x70];
	_ =	sdelay $0x4  }
0x53: {  	[tilespmem:s23+$0x70] =	vst.add.f32.msk $0xffff, v0  }
0x54: {  	[tilespmem:s23+$0x1870] =	vst.add.f32.msk $0xffff, v0  }
0x55: {  	[tilespmem:s23+$0x3070] =	vst.add.f32.msk $0xffff, v0  }
0x56: {  	s12 =	simm.s32 $0x0;
	[tilespmem:s24+$0x70] =	vst.add.f32.msk $0xffff, v0  }
0x57: {  	s2 =	smul.u32 $0xC00, s12;
	v0 =	vld [tilespmem:s0+$0x400]  }
0x58: {  	s31 =	simm.s32 $0x80  }
0x59: {  	s15 =	sand.u32 $0x380, s31;
	s25 =	sadd.s32 s2, s26  }
0x5a: {  	s25 =	sadd.s32 s15, s25  }
0x5b: {  	v1 =	vld [tilespmem:s25+$0x0]  }
0x5c: {  	[tilespmem:s23+$0x400] =	vst.add.f32.msk $0xffff, v0  }
0x5d: {  	[tilespmem:s23+$0x1C00] =	vst.add.f32.msk $0xffff, v0  }
0x5e: {  	[tilespmem:s23+$0x3400] =	vst.add.f32.msk $0xffff, v0  }
0x5f: {  	[tilespmem:s24+$0x400] =	vst.add.f32.msk $0xffff, v0  }
0x60: {  	v0 =	vld [tilespmem:s0+$0x410];
	_ =	sdelay $0x1  }
0x61: {  	s29 =	sadd.s32 s2, s22  }
0x62: {  	s29 =	sadd.s32 s15, s29  }
0x63: {  	[tilespmem:s29+$0x0] =	vst.add.f32.msk $0xffff, v1  }
0x64: {  	[tilespmem:s23+$0x410] =	vst.add.f32.msk $0xffff, v0  }
0x65: {  	[tilespmem:s23+$0x1C10] =	vst.add.f32.msk $0xffff, v0  }
0x66: {  	[tilespmem:s23+$0x3410] =	vst.add.f32.msk $0xffff, v0  }
0x67: {  	[tilespmem:s24+$0x410] =	vst.add.f32.msk $0xffff, v0  }
0x68: {  	v0 =	vld [tilespmem:s0+$0x420]  }
0x69: {  	s2 =	sadd.s32 s2, s28;
	[tilespmem:s29+$0x1800] =	vst.add.f32.msk $0xffff, v1  }
0x6a: {  	s30 =	sadd.s32 s15, s2;
	[tilespmem:s29+$0x3000] =	vst.add.f32.msk $0xffff, v1  }
0x6b: {  	[tilespmem:s30+$0x0] =	vst.add.f32.msk $0xffff, v1  }
0x6c: {  	v1 =	vld [tilespmem:s25+$0x10]  }
0x6d: {  	[tilespmem:s23+$0x420] =	vst.add.f32.msk $0xffff, v0  }
0x6e: {  	[tilespmem:s23+$0x1C20] =	vst.add.f32.msk $0xffff, v0  }
0x6f: {  	[tilespmem:s23+$0x3420] =	vst.add.f32.msk $0xffff, v0  }
0x70: {  	[tilespmem:s24+$0x420] =	vst.add.f32.msk $0xffff, v0  }
0x71: {  	v0 =	vld [tilespmem:s0+$0x430];
	_ =	sdelay $0x3  }
0x72: {  	[tilespmem:s29+$0x10] =	vst.add.f32.msk $0xffff, v1  }
0x73: {  	[tilespmem:s23+$0x430] =	vst.add.f32.msk $0xffff, v0  }
0x74: {  	[tilespmem:s23+$0x1C30] =	vst.add.f32.msk $0xffff, v0  }
0x75: {  	[tilespmem:s23+$0x3430] =	vst.add.f32.msk $0xffff, v0  }
0x76: {  	[tilespmem:s24+$0x430] =	vst.add.f32.msk $0xffff, v0  }
0x77: {  	v0 =	vld [tilespmem:s0+$0x440]  }
0x78: {  	[tilespmem:s29+$0x1810] =	vst.add.f32.msk $0xffff, v1  }
0x79: {  	[tilespmem:s29+$0x3010] =	vst.add.f32.msk $0xffff, v1  }
0x7a: {  	[tilespmem:s30+$0x10] =	vst.add.f32.msk $0xffff, v1  }
0x7b: {  	v1 =	vld [tilespmem:s25+$0x20]  }
0x7c: {  	[tilespmem:s23+$0x440] =	vst.add.f32.msk $0xffff, v0  }
0x7d: {  	[tilespmem:s23+$0x1C40] =	vst.add.f32.msk $0xffff, v0  }
0x7e: {  	[tilespmem:s23+$0x3440] =	vst.add.f32.msk $0xffff, v0  }
0x7f: {  	[tilespmem:s24+$0x440] =	vst.add.f32.msk $0xffff, v0  }
0x80: {  	v0 =	vld [tilespmem:s0+$0x450];
	_ =	sdelay $0x3  }
0x81: {  	[tilespmem:s29+$0x20] =	vst.add.f32.msk $0xffff, v1  }
0x82: {  	[tilespmem:s23+$0x450] =	vst.add.f32.msk $0xffff, v0  }
0x83: {  	[tilespmem:s23+$0x1C50] =	vst.add.f32.msk $0xffff, v0  }
0x84: {  	[tilespmem:s23+$0x3450] =	vst.add.f32.msk $0xffff, v0  }
0x85: {  	[tilespmem:s24+$0x450] =	vst.add.f32.msk $0xffff, v0  }
0x86: {  	v0 =	vld [tilespmem:s0+$0x460]  }
0x87: {  	[tilespmem:s29+$0x1820] =	vst.add.f32.msk $0xffff, v1  }
0x88: {  	[tilespmem:s29+$0x3020] =	vst.add.f32.msk $0xffff, v1  }
0x89: {  	[tilespmem:s30+$0x20] =	vst.add.f32.msk $0xffff, v1  }
0x8a: {  	v1 =	vld [tilespmem:s25+$0x30]  }
0x8b: {  	[tilespmem:s23+$0x460] =	vst.add.f32.msk $0xffff, v0  }
0x8c: {  	[tilespmem:s23+$0x1C60] =	vst.add.f32.msk $0xffff, v0  }
0x8d: {  	[tilespmem:s23+$0x3460] =	vst.add.f32.msk $0xffff, v0  }
0x8e: {  	[tilespmem:s24+$0x460] =	vst.add.f32.msk $0xffff, v0  }
0x8f: {  	v0 =	vld [tilespmem:s0+$0x470];
	_ =	sdelay $0x3  }
0x90: {  	[tilespmem:s29+$0x30] =	vst.add.f32.msk $0xffff, v1  }
0x91: {  	[tilespmem:s23+$0x470] =	vst.add.f32.msk $0xffff, v0  }
0x92: {  	[tilespmem:s23+$0x1C70] =	vst.add.f32.msk $0xffff, v0  }
0x93: {  	[tilespmem:s23+$0x3470] =	vst.add.f32.msk $0xffff, v0  }
0x94: {  	[tilespmem:s24+$0x470] =	vst.add.f32.msk $0xffff, v0  }
0x95: {  	v0 =	vld [tilespmem:s0+$0x800]  }
0x96: {  	[tilespmem:s29+$0x1830] =	vst.add.f32.msk $0xffff, v1  }
0x97: {  	[tilespmem:s29+$0x3030] =	vst.add.f32.msk $0xffff, v1  }
0x98: {  	[tilespmem:s30+$0x30] =	vst.add.f32.msk $0xffff, v1  }
0x99: {  	v1 =	vld [tilespmem:s25+$0x40]  }
0x9a: {  	[tilespmem:s23+$0x800] =	vst.add.f32.msk $0xffff, v0  }
0x9b: {  	[tilespmem:s23+$0x2000] =	vst.add.f32.msk $0xffff, v0  }
0x9c: {  	[tilespmem:s23+$0x3800] =	vst.add.f32.msk $0xffff, v0  }
0x9d: {  	[tilespmem:s24+$0x800] =	vst.add.f32.msk $0xffff, v0  }
0x9e: {  	v0 =	vld [tilespmem:s0+$0x810];
	_ =	sdelay $0x3  }
0x9f: {  	[tilespmem:s29+$0x40] =	vst.add.f32.msk $0xffff, v1  }
0xa0: {  	[tilespmem:s23+$0x810] =	vst.add.f32.msk $0xffff, v0  }
0xa1: {  	[tilespmem:s23+$0x2010] =	vst.add.f32.msk $0xffff, v0  }
0xa2: {  	[tilespmem:s23+$0x3810] =	vst.add.f32.msk $0xffff, v0  }
0xa3: {  	[tilespmem:s24+$0x810] =	vst.add.f32.msk $0xffff, v0  }
0xa4: {  	v0 =	vld [tilespmem:s0+$0x820]  }
0xa5: {  	[tilespmem:s29+$0x1840] =	vst.add.f32.msk $0xffff, v1  }
0xa6: {  	[tilespmem:s29+$0x3040] =	vst.add.f32.msk $0xffff, v1  }
0xa7: {  	[tilespmem:s30+$0x40] =	vst.add.f32.msk $0xffff, v1  }
0xa8: {  	v1 =	vld [tilespmem:s25+$0x50]  }
0xa9: {  	[tilespmem:s23+$0x820] =	vst.add.f32.msk $0xffff, v0  }
0xaa: {  	[tilespmem:s23+$0x2020] =	vst.add.f32.msk $0xffff, v0  }
0xab: {  	[tilespmem:s23+$0x3820] =	vst.add.f32.msk $0xffff, v0  }
0xac: {  	[tilespmem:s24+$0x820] =	vst.add.f32.msk $0xffff, v0  }
0xad: {  	v0 =	vld [tilespmem:s0+$0x830];
	_ =	sdelay $0x3  }
0xae: {  	[tilespmem:s29+$0x50] =	vst.add.f32.msk $0xffff, v1  }
0xaf: {  	[tilespmem:s23+$0x830] =	vst.add.f32.msk $0xffff, v0  }
0xb0: {  	[tilespmem:s23+$0x2030] =	vst.add.f32.msk $0xffff, v0  }
0xb1: {  	[tilespmem:s23+$0x3830] =	vst.add.f32.msk $0xffff, v0  }
0xb2: {  	[tilespmem:s24+$0x830] =	vst.add.f32.msk $0xffff, v0  }
0xb3: {  	v0 =	vld [tilespmem:s0+$0x840]  }
0xb4: {  	[tilespmem:s29+$0x1850] =	vst.add.f32.msk $0xffff, v1  }
0xb5: {  	[tilespmem:s29+$0x3050] =	vst.add.f32.msk $0xffff, v1  }
0xb6: {  	[tilespmem:s30+$0x50] =	vst.add.f32.msk $0xffff, v1  }
0xb7: {  	v1 =	vld [tilespmem:s25+$0x60]  }
0xb8: {  	[tilespmem:s23+$0x840] =	vst.add.f32.msk $0xffff, v0  }
0xb9: {  	[tilespmem:s23+$0x2040] =	vst.add.f32.msk $0xffff, v0  }
0xba: {  	[tilespmem:s23+$0x3840] =	vst.add.f32.msk $0xffff, v0  }
0xbb: {  	[tilespmem:s24+$0x840] =	vst.add.f32.msk $0xffff, v0  }
0xbc: {  	v0 =	vld [tilespmem:s0+$0x850];
	_ =	sdelay $0x3  }
0xbd: {  	[tilespmem:s29+$0x60] =	vst.add.f32.msk $0xffff, v1  }
0xbe: {  	[tilespmem:s23+$0x850] =	vst.add.f32.msk $0xffff, v0  }
0xbf: {  	[tilespmem:s23+$0x2050] =	vst.add.f32.msk $0xffff, v0  }
0xc0: {  	[tilespmem:s23+$0x3850] =	vst.add.f32.msk $0xffff, v0  }
0xc1: {  	[tilespmem:s24+$0x850] =	vst.add.f32.msk $0xffff, v0  }
0xc2: {  	v0 =	vld [tilespmem:s0+$0x860]  }
0xc3: {  	[tilespmem:s29+$0x1860] =	vst.add.f32.msk $0xffff, v1  }
0xc4: {  	[tilespmem:s29+$0x3060] =	vst.add.f32.msk $0xffff, v1  }
0xc5: {  	[tilespmem:s30+$0x60] =	vst.add.f32.msk $0xffff, v1  }
0xc6: {  	v1 =	vld [tilespmem:s25+$0x70]  }
0xc7: {  	[tilespmem:s23+$0x860] =	vst.add.f32.msk $0xffff, v0  }
0xc8: {  	[tilespmem:s23+$0x2060] =	vst.add.f32.msk $0xffff, v0  }
0xc9: {  	[tilespmem:s23+$0x3860] =	vst.add.f32.msk $0xffff, v0  }
0xca: {  	[tilespmem:s24+$0x860] =	vst.add.f32.msk $0xffff, v0  }
0xcb: {  	v0 =	vld [tilespmem:s0+$0x870]  }
0xcc: {  	[tilespmem:s29+$0x70] =	vst.add.f32.msk $0xffff, v1  }
0xcd: {  	[tilespmem:s29+$0x1870] =	vst.add.f32.msk $0xffff, v1  }
0xce: {  	s15 =	sshll.u32 s20, $0x4;
	[tilespmem:s29+$0x3070] =	vst.add.f32.msk $0xffff, v1  }
0xcf: {  	s2 =	sadd.s32 s5, s15;
	[tilespmem:s30+$0x70] =	vst.add.f32.msk $0xffff, v1;
	s0 =	simm.s32 $0x2  }
.LBB2_3:
0xd0: {  	p0 =	sne.s32 s0, $0xF;
	[tilespmem:s23+$0x870] =	vst.add.f32.msk $0xffff, v0  }
0xd1: {  	[tilespmem:s23+$0x2070] =	vst.add.f32.msk $0xffff, v0  }
0xd2: {  	[tilespmem:s23+$0x3870] =	vst.add.f32.msk $0xffff, v0;
	s23 =	smov.u32 s29  }
0xd3: {  	s12 =	sshrl.u32 s0, $0x3;
	[tilespmem:s24+$0x870] =	vst.add.f32.msk $0xffff, v0;
	s24 =	smov.u32 s30  }
0xd4: {  	s30 =	smul.u32 $0xC00, s12;
	v0 =	vld [tilespmem:s25+$0x400]  }
0xd5: {  	s31 =	sadd.s32 $0x80, s31  }
0xd6: {  	s15 =	sand.u32 $0x380, s31;
	s12 =	sadd.s32 s30, s26  }
0xd7: {  	s12 =	sadd.s32 s15, s12  }
0xd8: {  	v1 =	vld [tilespmem:s12+$0x0]  }
0xd9: {  	[tilespmem:s23+$0x400] =	vst.add.f32.msk $0xffff, v0  }
0xda: {  	[tilespmem:s23+$0x1C00] =	vst.add.f32.msk $0xffff, v0  }
0xdb: {  	[tilespmem:s23+$0x3400] =	vst.add.f32.msk $0xffff, v0  }
0xdc: {  	[tilespmem:s24+$0x400] =	vst.add.f32.msk $0xffff, v0  }
0xdd: {  	v0 =	vld [tilespmem:s25+$0x410];
	_ =	sdelay $0x1  }
0xde: {  	s29 =	sadd.s32 s30, s22  }
0xdf: {  	s29 =	sadd.s32 s15, s29  }
0xe0: {  	[tilespmem:s29+$0x0] =	vst.add.f32.msk $0xffff, v1  }
0xe1: {  	[tilespmem:s23+$0x410] =	vst.add.f32.msk $0xffff, v0  }
0xe2: {  	[tilespmem:s23+$0x1C10] =	vst.add.f32.msk $0xffff, v0  }
0xe3: {  	[tilespmem:s23+$0x3410] =	vst.add.f32.msk $0xffff, v0  }
0xe4: {  	[tilespmem:s24+$0x410] =	vst.add.f32.msk $0xffff, v0  }
0xe5: {  	v0 =	vld [tilespmem:s25+$0x420]  }
0xe6: {  	s30 =	sadd.s32 s30, s28;
	[tilespmem:s29+$0x1800] =	vst.add.f32.msk $0xffff, v1  }
0xe7: {  	s30 =	sadd.s32 s15, s30;
	[tilespmem:s29+$0x3000] =	vst.add.f32.msk $0xffff, v1  }
0xe8: {  	[tilespmem:s30+$0x0] =	vst.add.f32.msk $0xffff, v1  }
0xe9: {  	v1 =	vld [tilespmem:s12+$0x10]  }
0xea: {  	[tilespmem:s23+$0x420] =	vst.add.f32.msk $0xffff, v0  }
0xeb: {  	[tilespmem:s23+$0x1C20] =	vst.add.f32.msk $0xffff, v0  }
0xec: {  	[tilespmem:s23+$0x3420] =	vst.add.f32.msk $0xffff, v0  }
0xed: {  	[tilespmem:s24+$0x420] =	vst.add.f32.msk $0xffff, v0  }
0xee: {  	v0 =	vld [tilespmem:s25+$0x430];
	_ =	sdelay $0x3  }
0xef: {  	[tilespmem:s29+$0x10] =	vst.add.f32.msk $0xffff, v1  }
0xf0: {  	[tilespmem:s23+$0x430] =	vst.add.f32.msk $0xffff, v0  }
0xf1: {  	[tilespmem:s23+$0x1C30] =	vst.add.f32.msk $0xffff, v0  }
0xf2: {  	[tilespmem:s23+$0x3430] =	vst.add.f32.msk $0xffff, v0  }
0xf3: {  	[tilespmem:s24+$0x430] =	vst.add.f32.msk $0xffff, v0  }
0xf4: {  	v0 =	vld [tilespmem:s25+$0x440]  }
0xf5: {  	[tilespmem:s29+$0x1810] =	vst.add.f32.msk $0xffff, v1  }
0xf6: {  	[tilespmem:s29+$0x3010] =	vst.add.f32.msk $0xffff, v1  }
0xf7: {  	[tilespmem:s30+$0x10] =	vst.add.f32.msk $0xffff, v1  }
0xf8: {  	v1 =	vld [tilespmem:s12+$0x20]  }
0xf9: {  	[tilespmem:s23+$0x440] =	vst.add.f32.msk $0xffff, v0  }
0xfa: {  	[tilespmem:s23+$0x1C40] =	vst.add.f32.msk $0xffff, v0  }
0xfb: {  	[tilespmem:s23+$0x3440] =	vst.add.f32.msk $0xffff, v0  }
0xfc: {  	[tilespmem:s24+$0x440] =	vst.add.f32.msk $0xffff, v0  }
0xfd: {  	v0 =	vld [tilespmem:s25+$0x450];
	_ =	sdelay $0x3  }
0xfe: {  	[tilespmem:s29+$0x20] =	vst.add.f32.msk $0xffff, v1  }
0xff: {  	[tilespmem:s23+$0x450] =	vst.add.f32.msk $0xffff, v0  }
0x100: {  	[tilespmem:s23+$0x1C50] =	vst.add.f32.msk $0xffff, v0  }
0x101: {  	[tilespmem:s23+$0x3450] =	vst.add.f32.msk $0xffff, v0  }
0x102: {  	[tilespmem:s24+$0x450] =	vst.add.f32.msk $0xffff, v0  }
0x103: {  	v0 =	vld [tilespmem:s25+$0x460]  }
0x104: {  	[tilespmem:s29+$0x1820] =	vst.add.f32.msk $0xffff, v1  }
0x105: {  	[tilespmem:s29+$0x3020] =	vst.add.f32.msk $0xffff, v1  }
0x106: {  	[tilespmem:s30+$0x20] =	vst.add.f32.msk $0xffff, v1  }
0x107: {  	v1 =	vld [tilespmem:s12+$0x30]  }
0x108: {  	[tilespmem:s23+$0x460] =	vst.add.f32.msk $0xffff, v0  }
0x109: {  	[tilespmem:s23+$0x1C60] =	vst.add.f32.msk $0xffff, v0  }
0x10a: {  	[tilespmem:s23+$0x3460] =	vst.add.f32.msk $0xffff, v0  }
0x10b: {  	[tilespmem:s24+$0x460] =	vst.add.f32.msk $0xffff, v0  }
0x10c: {  	v0 =	vld [tilespmem:s25+$0x470];
	_ =	sdelay $0x3  }
0x10d: {  	[tilespmem:s29+$0x30] =	vst.add.f32.msk $0xffff, v1  }
0x10e: {  	[tilespmem:s23+$0x470] =	vst.add.f32.msk $0xffff, v0  }
0x10f: {  	[tilespmem:s23+$0x1C70] =	vst.add.f32.msk $0xffff, v0  }
0x110: {  	[tilespmem:s23+$0x3470] =	vst.add.f32.msk $0xffff, v0  }
0x111: {  	[tilespmem:s24+$0x470] =	vst.add.f32.msk $0xffff, v0  }
0x112: {  	v0 =	vld [tilespmem:s25+$0x800]  }
0x113: {  	[tilespmem:s29+$0x1830] =	vst.add.f32.msk $0xffff, v1  }
0x114: {  	[tilespmem:s29+$0x3030] =	vst.add.f32.msk $0xffff, v1  }
0x115: {  	[tilespmem:s30+$0x30] =	vst.add.f32.msk $0xffff, v1  }
0x116: {  	v1 =	vld [tilespmem:s12+$0x40]  }
0x117: {  	[tilespmem:s23+$0x800] =	vst.add.f32.msk $0xffff, v0  }
0x118: {  	[tilespmem:s23+$0x2000] =	vst.add.f32.msk $0xffff, v0  }
0x119: {  	[tilespmem:s23+$0x3800] =	vst.add.f32.msk $0xffff, v0  }
0x11a: {  	[tilespmem:s24+$0x800] =	vst.add.f32.msk $0xffff, v0  }
0x11b: {  	v0 =	vld [tilespmem:s25+$0x810];
	_ =	sdelay $0x3  }
0x11c: {  	[tilespmem:s29+$0x40] =	vst.add.f32.msk $0xffff, v1  }
0x11d: {  	[tilespmem:s23+$0x810] =	vst.add.f32.msk $0xffff, v0  }
0x11e: {  	[tilespmem:s23+$0x2010] =	vst.add.f32.msk $0xffff, v0  }
0x11f: {  	[tilespmem:s23+$0x3810] =	vst.add.f32.msk $0xffff, v0  }
0x120: {  	[tilespmem:s24+$0x810] =	vst.add.f32.msk $0xffff, v0  }
0x121: {  	v0 =	vld [tilespmem:s25+$0x820]  }
0x122: {  	[tilespmem:s29+$0x1840] =	vst.add.f32.msk $0xffff, v1  }
0x123: {  	[tilespmem:s29+$0x3040] =	vst.add.f32.msk $0xffff, v1  }
0x124: {  	[tilespmem:s30+$0x40] =	vst.add.f32.msk $0xffff, v1  }
0x125: {  	v1 =	vld [tilespmem:s12+$0x50]  }
0x126: {  	[tilespmem:s23+$0x820] =	vst.add.f32.msk $0xffff, v0  }
0x127: {  	[tilespmem:s23+$0x2020] =	vst.add.f32.msk $0xffff, v0  }
0x128: {  	[tilespmem:s23+$0x3820] =	vst.add.f32.msk $0xffff, v0  }
0x129: {  	[tilespmem:s24+$0x820] =	vst.add.f32.msk $0xffff, v0  }
0x12a: {  	v0 =	vld [tilespmem:s25+$0x830];
	_ =	sdelay $0x3  }
0x12b: {  	[tilespmem:s29+$0x50] =	vst.add.f32.msk $0xffff, v1  }
0x12c: {  	[tilespmem:s23+$0x830] =	vst.add.f32.msk $0xffff, v0  }
0x12d: {  	[tilespmem:s23+$0x2030] =	vst.add.f32.msk $0xffff, v0  }
0x12e: {  	[tilespmem:s23+$0x3830] =	vst.add.f32.msk $0xffff, v0  }
0x12f: {  	[tilespmem:s24+$0x830] =	vst.add.f32.msk $0xffff, v0  }
0x130: {  	v0 =	vld [tilespmem:s25+$0x840]  }
0x131: {  	[tilespmem:s29+$0x1850] =	vst.add.f32.msk $0xffff, v1  }
0x132: {  	[tilespmem:s29+$0x3050] =	vst.add.f32.msk $0xffff, v1  }
0x133: {  	[tilespmem:s30+$0x50] =	vst.add.f32.msk $0xffff, v1  }
0x134: {  	v1 =	vld [tilespmem:s12+$0x60]  }
0x135: {  	[tilespmem:s23+$0x840] =	vst.add.f32.msk $0xffff, v0  }
0x136: {  	[tilespmem:s23+$0x2040] =	vst.add.f32.msk $0xffff, v0  }
0x137: {  	[tilespmem:s23+$0x3840] =	vst.add.f32.msk $0xffff, v0  }
0x138: {  	[tilespmem:s24+$0x840] =	vst.add.f32.msk $0xffff, v0  }
0x139: {  	v0 =	vld [tilespmem:s25+$0x850];
	_ =	sdelay $0x3  }
0x13a: {  	[tilespmem:s29+$0x60] =	vst.add.f32.msk $0xffff, v1  }
0x13b: {  	[tilespmem:s23+$0x850] =	vst.add.f32.msk $0xffff, v0  }
0x13c: {  	[tilespmem:s23+$0x2050] =	vst.add.f32.msk $0xffff, v0  }
0x13d: {  	[tilespmem:s23+$0x3850] =	vst.add.f32.msk $0xffff, v0  }
0x13e: {  	[tilespmem:s24+$0x850] =	vst.add.f32.msk $0xffff, v0  }
0x13f: {  	v0 =	vld [tilespmem:s25+$0x860]  }
0x140: {  	[tilespmem:s29+$0x1860] =	vst.add.f32.msk $0xffff, v1  }
0x141: {  	[tilespmem:s29+$0x3060] =	vst.add.f32.msk $0xffff, v1  }
0x142: {  	[tilespmem:s30+$0x60] =	vst.add.f32.msk $0xffff, v1  }
0x143: {  	v1 =	vld [tilespmem:s12+$0x70]  }
0x144: {  	[tilespmem:s23+$0x860] =	vst.add.f32.msk $0xffff, v0  }
0x145: {  	[tilespmem:s23+$0x2060] =	vst.add.f32.msk $0xffff, v0  }
0x146: {  	[tilespmem:s23+$0x3860] =	vst.add.f32.msk $0xffff, v0  }
0x147: {  	[tilespmem:s24+$0x860] =	vst.add.f32.msk $0xffff, v0  }
.Ltmp0:
0x148: {  	v0 =	vld [tilespmem:s25+$0x870];
	s25 =	smov.u32 s12;
	(pc) =	sbr.rel @p0 .LBB2_3-.Ltmp0, $4  }
0x149: {  	[tilespmem:s29+$0x70] =	vst.add.f32.msk $0xffff, v1  }
0x14a: {  	[tilespmem:s29+$0x1870] =	vst.add.f32.msk $0xffff, v1  }
0x14b: {  	[tilespmem:s29+$0x3070] =	vst.add.f32.msk $0xffff, v1  }
0x14c: {  	s0 =	sadd.s32 $0x1, s0;
	[tilespmem:s30+$0x70] =	vst.add.f32.msk $0xffff, v1  }
0x14d: {  	v1 =	vld [tilespmem:s25+$0x400];
	_ =	sdelay $0x4  }
0x14e: {  	[tilespmem:s29+$0x400] =	vst.add.f32.msk $0xffff, v1  }
0x14f: {  	[tilespmem:s29+$0x1C00] =	vst.add.f32.msk $0xffff, v1  }
0x150: {  	[tilespmem:s29+$0x3400] =	vst.add.f32.msk $0xffff, v1  }
0x151: {  	[tilespmem:s30+$0x400] =	vst.add.f32.msk $0xffff, v1  }
0x152: {  	v1 =	vld [tilespmem:s25+$0x410];
	_ =	sdelay $0x4  }
0x153: {  	[tilespmem:s29+$0x410] =	vst.add.f32.msk $0xffff, v1  }
0x154: {  	[tilespmem:s29+$0x1C10] =	vst.add.f32.msk $0xffff, v1  }
0x155: {  	[tilespmem:s29+$0x3410] =	vst.add.f32.msk $0xffff, v1  }
0x156: {  	[tilespmem:s30+$0x410] =	vst.add.f32.msk $0xffff, v1  }
0x157: {  	v1 =	vld [tilespmem:s25+$0x420];
	_ =	sdelay $0x4  }
0x158: {  	[tilespmem:s29+$0x420] =	vst.add.f32.msk $0xffff, v1  }
0x159: {  	[tilespmem:s29+$0x1C20] =	vst.add.f32.msk $0xffff, v1  }
0x15a: {  	[tilespmem:s29+$0x3420] =	vst.add.f32.msk $0xffff, v1  }
0x15b: {  	[tilespmem:s30+$0x420] =	vst.add.f32.msk $0xffff, v1  }
0x15c: {  	v1 =	vld [tilespmem:s25+$0x430];
	_ =	sdelay $0x4  }
0x15d: {  	[tilespmem:s29+$0x430] =	vst.add.f32.msk $0xffff, v1  }
0x15e: {  	[tilespmem:s29+$0x1C30] =	vst.add.f32.msk $0xffff, v1  }
0x15f: {  	[tilespmem:s29+$0x3430] =	vst.add.f32.msk $0xffff, v1  }
0x160: {  	[tilespmem:s30+$0x430] =	vst.add.f32.msk $0xffff, v1  }
0x161: {  	v1 =	vld [tilespmem:s25+$0x440];
	_ =	sdelay $0x4  }
0x162: {  	[tilespmem:s29+$0x440] =	vst.add.f32.msk $0xffff, v1  }
0x163: {  	[tilespmem:s29+$0x1C40] =	vst.add.f32.msk $0xffff, v1  }
0x164: {  	[tilespmem:s29+$0x3440] =	vst.add.f32.msk $0xffff, v1  }
0x165: {  	[tilespmem:s30+$0x440] =	vst.add.f32.msk $0xffff, v1  }
0x166: {  	v1 =	vld [tilespmem:s25+$0x450];
	_ =	sdelay $0x4  }
0x167: {  	[tilespmem:s29+$0x450] =	vst.add.f32.msk $0xffff, v1  }
0x168: {  	[tilespmem:s29+$0x1C50] =	vst.add.f32.msk $0xffff, v1  }
0x169: {  	[tilespmem:s29+$0x3450] =	vst.add.f32.msk $0xffff, v1  }
0x16a: {  	[tilespmem:s30+$0x450] =	vst.add.f32.msk $0xffff, v1  }
0x16b: {  	v1 =	vld [tilespmem:s25+$0x460];
	_ =	sdelay $0x4  }
0x16c: {  	[tilespmem:s29+$0x460] =	vst.add.f32.msk $0xffff, v1  }
0x16d: {  	[tilespmem:s29+$0x1C60] =	vst.add.f32.msk $0xffff, v1  }
0x16e: {  	[tilespmem:s29+$0x3460] =	vst.add.f32.msk $0xffff, v1  }
0x16f: {  	[tilespmem:s30+$0x460] =	vst.add.f32.msk $0xffff, v1  }
0x170: {  	v1 =	vld [tilespmem:s25+$0x470];
	_ =	sdelay $0x4  }
0x171: {  	[tilespmem:s29+$0x470] =	vst.add.f32.msk $0xffff, v1  }
0x172: {  	[tilespmem:s29+$0x1C70] =	vst.add.f32.msk $0xffff, v1  }
0x173: {  	[tilespmem:s29+$0x3470] =	vst.add.f32.msk $0xffff, v1  }
0x174: {  	[tilespmem:s30+$0x470] =	vst.add.f32.msk $0xffff, v1  }
0x175: {  	v1 =	vld [tilespmem:s25+$0x800];
	_ =	sdelay $0x4  }
0x176: {  	[tilespmem:s29+$0x800] =	vst.add.f32.msk $0xffff, v1  }
0x177: {  	[tilespmem:s29+$0x2000] =	vst.add.f32.msk $0xffff, v1  }
0x178: {  	[tilespmem:s29+$0x3800] =	vst.add.f32.msk $0xffff, v1  }
0x179: {  	[tilespmem:s30+$0x800] =	vst.add.f32.msk $0xffff, v1  }
0x17a: {  	v1 =	vld [tilespmem:s25+$0x810];
	_ =	sdelay $0x4  }
0x17b: {  	[tilespmem:s29+$0x810] =	vst.add.f32.msk $0xffff, v1  }
0x17c: {  	[tilespmem:s29+$0x2010] =	vst.add.f32.msk $0xffff, v1  }
0x17d: {  	[tilespmem:s29+$0x3810] =	vst.add.f32.msk $0xffff, v1  }
0x17e: {  	[tilespmem:s30+$0x810] =	vst.add.f32.msk $0xffff, v1  }
0x17f: {  	v1 =	vld [tilespmem:s25+$0x820];
	_ =	sdelay $0x4  }
0x180: {  	[tilespmem:s29+$0x820] =	vst.add.f32.msk $0xffff, v1  }
0x181: {  	[tilespmem:s29+$0x2020] =	vst.add.f32.msk $0xffff, v1  }
0x182: {  	[tilespmem:s29+$0x3820] =	vst.add.f32.msk $0xffff, v1  }
0x183: {  	[tilespmem:s30+$0x820] =	vst.add.f32.msk $0xffff, v1  }
0x184: {  	v1 =	vld [tilespmem:s25+$0x830];
	_ =	sdelay $0x4  }
0x185: {  	[tilespmem:s29+$0x830] =	vst.add.f32.msk $0xffff, v1  }
0x186: {  	[tilespmem:s29+$0x2030] =	vst.add.f32.msk $0xffff, v1  }
0x187: {  	[tilespmem:s29+$0x3830] =	vst.add.f32.msk $0xffff, v1  }
0x188: {  	[tilespmem:s30+$0x830] =	vst.add.f32.msk $0xffff, v1  }
0x189: {  	v1 =	vld [tilespmem:s25+$0x840];
	_ =	sdelay $0x4  }
0x18a: {  	[tilespmem:s29+$0x840] =	vst.add.f32.msk $0xffff, v1  }
0x18b: {  	[tilespmem:s29+$0x2040] =	vst.add.f32.msk $0xffff, v1  }
0x18c: {  	[tilespmem:s29+$0x3840] =	vst.add.f32.msk $0xffff, v1  }
0x18d: {  	[tilespmem:s30+$0x840] =	vst.add.f32.msk $0xffff, v1  }
0x18e: {  	v1 =	vld [tilespmem:s25+$0x850];
	_ =	sdelay $0x4  }
0x18f: {  	[tilespmem:s29+$0x850] =	vst.add.f32.msk $0xffff, v1  }
0x190: {  	[tilespmem:s29+$0x2050] =	vst.add.f32.msk $0xffff, v1  }
0x191: {  	[tilespmem:s29+$0x3850] =	vst.add.f32.msk $0xffff, v1  }
0x192: {  	[tilespmem:s30+$0x850] =	vst.add.f32.msk $0xffff, v1  }
0x193: {  	v1 =	vld [tilespmem:s25+$0x860];
	_ =	sdelay $0x4  }
0x194: {  	[tilespmem:s29+$0x860] =	vst.add.f32.msk $0xffff, v1  }
0x195: {  	[tilespmem:s29+$0x2060] =	vst.add.f32.msk $0xffff, v1  }
0x196: {  	[tilespmem:s29+$0x3860] =	vst.add.f32.msk $0xffff, v1  }
0x197: {  	[tilespmem:s30+$0x860] =	vst.add.f32.msk $0xffff, v1  }
0x198: {  	v1 =	vld [tilespmem:s25+$0x870]  }
0x199: {  	[tilespmem:s23+$0x870] =	vst.add.f32.msk $0xffff, v0  }
0x19a: {  	[tilespmem:s23+$0x2070] =	vst.add.f32.msk $0xffff, v0  }
0x19b: {  	[tilespmem:s23+$0x3870] =	vst.add.f32.msk $0xffff, v0;
	s20 =	sadd.s32 $0x1, s20  }
0x19c: {  	[tilespmem:s24+$0x870] =	vst.add.f32.msk $0xffff, v0;
	p0 =	sne.s32 s20, $0x8  }
.Ltmp1:
0x19d: {  	s0 =	sshrl.u32 s2, $0x3;
	[tilespmem:s29+$0x870] =	vst.add.f32.msk $0xffff, v1;
	(pc) =	sbr.rel @p0 .LBB2_2-.Ltmp1, $4  }
0x19e: {  	s0 =	smul.u32 $0x180, s0;
	[tilespmem:s29+$0x2070] =	vst.add.f32.msk $0xffff, v1  }
0x19f: {  	[tilespmem:s29+$0x3870] =	vst.add.f32.msk $0xffff, v1  }
0x1a0: {  	s31 =	sadd.s32 $0x5, s21;
	s0 =	sadd.s32 s4, s0;
	[tilespmem:s30+$0x870] =	vst.add.f32.msk $0xffff, v1  }
0x1a1: {  	[hbm4b:s0+s13] =	stream.strided.scatter [tilespmem:s22], [sflag:s31], $0x6000, s14, s13, $0x38;
	[tilespmem:$0x1E000] =	vst v63  }
0x1a2: {  	s19 =	sadd.s32 $0x1, s19  }
0x1a3: {  	_ =	swait.ge [sflag:s17], $0x6000;
	p0 =	sne.s32 s19, s11  }
.Ltmp2:
0x1a4: {  	[sflag:s17] =	ssyncset.done $0x0;
	(pc) =	sbr.rel @p0 .LBB2_1-.Ltmp2, $4  }
0x1a5: {  	[sflag:s17] =	ssyncadd.s32 $0xFFFFA000  }
0x1a6: {  	_ =	swait.ge [sflag:s18], $0x6000  }
0x1a7: {  	[sflag:s18] =	ssyncset.done $0x0  }
0x1a8: {  	[sflag:s18] =	ssyncadd.s32 $0xFFFFA000  }
0x1a9: {  	_ =	sfence.sel $0x180000  }
0x1aa: {  	[bflag:$0x0] =	sbarrier.arrive $0xFFFF  }
0x1ab: {  	_ =	strace $0x90000047  }
0x1ac: {  	s0 =	stileid.u32;
	[bflag:$0x2] =	sbarrier.arrive $0xFFFF  }
0x1ad: {  	p0 =	sne.s32 s0, $0x0;
	s0 =	rddreg [dreg:$0x3]  }
0x1ae: {  	s0 =	sadd.s32 @!p0 $0x100000, s0  }
0x1af: {  	[sflag:s0] =	ssyncadd.tile.s32 @!p0 $0x1;
	_ =	shalt  }
.Lfunc_end2:
_tile_overlayer_lowered:
.L_overlay_start_2:
0x1b0: {  	(tag) =	ssettag $0x2  }
0x1b1: {  	s0 =	rddreg [dreg:$0x0];
	s2 =	stileid.u32  }
0x1b2: {  	s1 =	rddreg [dreg:$0x1];
	p0 =	sne.s32 s2, $0x0  }
0x1b3: {  	s3 =	rddreg [dreg:$0x2];
	[bflag:$0x3] =	sbarrier.arrive $0xFFFF;
	s2 =	simm.s32 @!p0 $0x1C09  }
0x1b4: {  	[timem:s3], [sflag:s2] =	dma.local @!p0 [hbm:s0], s1  }
0x1b5: {  	s0 =	simm.s32 @!p0 $0x9  }
0x1b6: {  	_ =	swait.ge @!p0 [sflag:s0], s1  }
0x1b7: {  	s1 =	ssub.s32 @!p0 $0x0, s1;
	[sflag:s0] =	ssyncset.done @!p0 $0x0  }
0x1b8: {  	[sflag:s0] =	ssyncadd.s32 @!p0 s1  }
0x1b9: {  	[bflag:$0x3] =	sbarrier.arrive $0xFFFF  }
0x1ba: {  	_ =	shalt  }

</sc_bundles>
